<compile_context>
chip_gen: v7x
topology: tpu7x:2x2x1
jax: 0.10.2.dev20260603
libtpu: 0.0.44.dev20260713+nightly
codegen_flags: <defaults>
</compile_context>

<pallas_src>
import functools

import jax
import jax.numpy as jnp
import numpy as np
from jax import lax
from jax.experimental import pallas as pl
from jax.experimental.pallas import tpu as pltpu
from jax.experimental.pallas import tpu_sc as plsc

DROP_LEN_LOW = 1000
DROP_LEN_HIGH = 2000
DROP_CNT_LOW = 1
DROP_CNT_HIGH = 5
P = 0.5
MAX_DROPS = DROP_CNT_HIGH
LANES = 16


_ROT = (np.uint32([13, 15, 26, 6]), np.uint32([17, 29, 16, 24]))


def _rotl(x, r):
    r = np.uint32(r)
    return ((x << r) | (x >> np.uint32(32 - r))).astype(np.uint32)


def _tf2x32(k1, k2, x0, x1):
    ks = (np.uint32(k1), np.uint32(k2),
          np.uint32(np.uint32(k1) ^ np.uint32(k2) ^ np.uint32(0x1BD11BDA)))
    a = (x0.astype(np.uint32) + ks[0]).astype(np.uint32)
    b = (x1.astype(np.uint32) + ks[1]).astype(np.uint32)
    x = [a, b]

    def rounds(rs):
        for r in rs:
            x[0] = (x[0] + x[1]).astype(np.uint32)
            x[1] = (_rotl(x[1], r) ^ x[0]).astype(np.uint32)

    inject = ((ks[1], ks[2]), (ks[2], ks[0]), (ks[0], ks[1]),
              (ks[1], ks[2]), (ks[2], ks[0]))
    for i, (ka, kb) in enumerate(inject):
        rounds(_ROT[i % 2])
        x[0] = (x[0] + ka).astype(np.uint32)
        x[1] = (x[1] + kb + np.uint32(i + 1)).astype(np.uint32)
    return x[0], x[1]


def _np_split(k, n):
    b1, b2 = _tf2x32(k[0], k[1], np.zeros(n, np.uint32),
                     np.arange(n, dtype=np.uint32))
    return [(b1[i], b2[i]) for i in range(n)]


def _np_bits(k, shape):
    n = int(np.prod(shape)) if shape else 1
    b1, b2 = _tf2x32(k[0], k[1], np.zeros(n, np.uint32),
                     np.arange(n, dtype=np.uint32))
    out = (b1 ^ b2).astype(np.uint32)
    return out.reshape(shape) if shape else out[0]


def _np_uniform(k, shape):
    bits = np.asarray(_np_bits(k, shape))
    f = (((bits >> np.uint32(9)) | np.uint32(0x3F800000))
         .astype(np.uint32).view(np.float32)) - np.float32(1.0)
    f = np.maximum(np.float32(0.0), f)
    return f.reshape(shape) if shape else np.float32(f)


def _np_randint(k, shape, lo, hi):
    k1, k2 = _np_split(k, 2)
    hb = _np_bits(k1, shape)
    lb = _np_bits(k2, shape)
    span = np.uint32(hi - lo)
    mult = np.uint32(np.uint32(65536) % span)
    mult = np.uint32((np.uint64(mult) * np.uint64(mult)) % np.uint64(span))
    off = (((hb % span) * mult) + (lb % span)) % span
    return (np.int32(lo) + off.astype(np.int32)).astype(np.int32)


@functools.lru_cache(maxsize=None)
def _drop_spans(batch, length):
    key = (np.uint32(0), np.uint32(42))
    k_apply, k_cnt, k_len, k_start = _np_split(key, 4)
    apply_flag = _np_uniform(k_apply, ()) <= np.float32(P)
    n_drops = _np_randint(k_cnt, (batch,), DROP_CNT_LOW, DROP_CNT_HIGH + 1)
    drop_len = _np_randint(
        k_len, (batch, MAX_DROPS), DROP_LEN_LOW, min(DROP_LEN_HIGH + 1, length)
    )
    u = _np_uniform(k_start, (batch, MAX_DROPS))
    start_range = np.maximum(1, length - drop_len).astype(np.float32)
    start = np.floor(u * start_range).astype(np.int32)
    active = (np.arange(MAX_DROPS)[None, :] < n_drops[:, None]) & bool(apply_flag)
    starts = np.where(active, start, 0).astype(np.int32)
    ends = np.where(active, start + drop_len, 0).astype(np.int32)
    return starts, ends


@functools.lru_cache(maxsize=None)
def _build(batch, channels, length, spans):
    info = plsc.get_sparse_core_info()
    nc, ns = info.num_cores, info.num_subcores
    nw = nc * ns
    assert batch * channels == nw, (batch, channels, nw)

    chunk = 16000
    nbuf = 4
    assert length % chunk == 0
    nch = length // chunk

    mesh = plsc.VectorSubcoreMesh(core_axis_name="c", subcore_axis_name="s")

    @functools.partial(
        pl.kernel,
        mesh=mesh,
        out_type=jax.ShapeDtypeStruct((batch, channels, length), jnp.float32),
        scratch_types=[pltpu.VMEM((chunk,), jnp.float32) for _ in range(nbuf)]
        + [pltpu.SemaphoreType.DMA for _ in range(2 * nbuf)],
    )
    def sc_fn(w_hbm, out_hbm, *rest):
        bufs = rest[:nbuf]
        in_sems = rest[nbuf : 2 * nbuf]
        out_sems = rest[2 * nbuf : 3 * nbuf]
        r = lax.axis_index("s") * nc + lax.axis_index("c")
        iota16 = lax.iota(jnp.int32, LANES)
        if channels == 1:
            row_i, ch_i = r, 0
        else:
            row_i, ch_i = r // channels, r % channels

        def start_in(ci):
            b = ci % nbuf
            return pltpu.async_copy(
                w_hbm.at[row_i, ch_i, pl.ds(ci * chunk, chunk)],
                bufs[b],
                in_sems[b],
            )

        def start_out(ci):
            b = ci % nbuf
            return pltpu.async_copy(
                bufs[b],
                out_hbm.at[row_i, ch_i, pl.ds(ci * chunk, chunk)],
                out_sems[b],
            )

        def mask_chunk(ci):
            buf = bufs[ci % nbuf]
            c = ci * chunk
            for row, row_spans in enumerate(spans):
                todo = []
                for s, e in row_spans:
                    lo, hi = max(s, c), min(e, c + chunk)
                    if lo < hi:
                        todo.append((s, e, (lo - c) // LANES,
                                     (hi - c + LANES - 1) // LANES))
                if not todo:
                    continue

                @pl.when(r == row)
                def _(todo=todo, buf=buf, c=c):
                    for s, e, jlo, jhi in todo:
                        def vb(j, carry, s=s, e=e, c=c, buf=buf):
                            off = j * LANES
                            t = (c + off) + iota16
                            x = buf[pl.ds(off, LANES)]
                            d = (t >= s) & (t < e)
                            buf[pl.ds(off, LANES)] = jnp.where(
                                d, jnp.float32(0.0), x)
                            return carry

                        lax.fori_loop(jlo, jhi, vb, 0)

        in_h = {}
        out_h = {}
        waited = set()
        for ci in range(min(nbuf - 1, nch)):
            in_h[ci] = start_in(ci)
        for ci in range(nch):
            in_h[ci].wait()
            mask_chunk(ci)
            out_h[ci] = start_out(ci)
            nxt = ci + nbuf - 1
            if nxt < nch:
                prev = nxt - nbuf
                if prev in out_h:
                    out_h[prev].wait()
                    waited.add(prev)
                in_h[nxt] = start_in(nxt)
        for ci in range(nch):
            if ci not in waited:
                out_h[ci].wait()

    return sc_fn


def kernel(waveforms):
    b, ch, length = waveforms.shape
    starts, ends = _drop_spans(b, length)
    spans = tuple(
        tuple((int(s), int(e)) for s, e in zip(starts[row], ends[row]) if s < e)
        for row in range(b)
        for _ in range(ch)
    )
    fn = _build(b, ch, length, spans)
    return fn(waveforms)

# --- scband reference (transcript-rebuilt; emitter-appended) ---
"""Pipeline reference for scband-drop-chunk-25417616457868 (READ-ONLY COPY).

The authoritative reference and input builder live on the scoring server;
editing this copy changes nothing except your own understanding.
"""

import jax, jax.numpy as jnp
import numpy as np

DROP_LEN_LOW = 1000
DROP_LEN_HIGH = 2000
DROP_CNT_LOW = 1
DROP_CNT_HIGH = 5
P = 0.5


def setup_inputs(seed: int = 0) -> dict:
    key = jax.random.key(seed)
    waveforms = jax.random.normal(key, (32, 1, 160000), dtype=jnp.float32)
    return {"waveforms": waveforms}


def _make_mask(batch, length):
    # Deterministic stand-in for the module's internal torch randomness.
    key = jax.random.key(42)
    k_apply, k_cnt, k_len, k_start = jax.random.split(key, 4)
    apply_flag = jax.random.uniform(k_apply, ()) <= P
    max_drops = DROP_CNT_HIGH
    n_drops = jax.random.randint(k_cnt, (batch,), DROP_CNT_LOW, DROP_CNT_HIGH + 1)
    drop_len = jax.random.randint(
        k_len, (batch, max_drops), DROP_LEN_LOW, min(DROP_LEN_HIGH + 1, length)
    )
    # start ~ Uniform[0, max(1, length - drop_len)) per drop, matching torch semantics
    u = jax.random.uniform(k_start, (batch, max_drops))
    start_range = jnp.maximum(1, length - drop_len)
    start = jnp.floor(u * start_range).astype(jnp.int32)
    active = jnp.arange(max_drops)[None, :] < n_drops[:, None]
    t = jnp.arange(length)
    in_chunk = (
        (t[None, None, :] >= start[:, :, None])
        & (t[None, None, :] < (start + drop_len)[:, :, None])
        & active[:, :, None]
    )
    dropped = jnp.any(in_chunk, axis=1)  # (batch, length)
    mask = jnp.where(dropped, 0.0, 1.0).astype(jnp.float32)
    mask = jnp.where(apply_flag, mask, jnp.ones_like(mask))
    return mask


def reference(waveforms):
    batch, channels, length = waveforms.shape
    mask = _make_mask(batch, length)
    return waveforms * mask[:, None, :]

if __name__ == "__main__":
    import jax
    _d = setup_inputs()
    print(jax.jit(kernel)(*tuple(_d.values())))

</pallas_src>

<mosaic_0001>
#map = affine_map<(d0, d1) -> (0, 0, 0)>
module attributes {stable_mosaic.version = 14 : i64} {
  func.func @sc_fn(%arg0: i32, %arg1: i32, %arg2: memref<32x1x160000xf32, #tpu.memory_space<hbm>>, %arg3: memref<32x1x160000xf32, #tpu.memory_space<hbm>>, %arg4: memref<16000xf32, #tpu.memory_space<vmem>>, %arg5: memref<16000xf32, #tpu.memory_space<vmem>>, %arg6: memref<16000xf32, #tpu.memory_space<vmem>>, %arg7: memref<16000xf32, #tpu.memory_space<vmem>>, %arg8: memref<!tpu.dma_semaphore, #tpu.memory_space<semaphore_mem>>, %arg9: memref<!tpu.dma_semaphore, #tpu.memory_space<semaphore_mem>>, %arg10: memref<!tpu.dma_semaphore, #tpu.memory_space<semaphore_mem>>, %arg11: memref<!tpu.dma_semaphore, #tpu.memory_space<semaphore_mem>>, %arg12: memref<!tpu.dma_semaphore, #tpu.memory_space<semaphore_mem>>, %arg13: memref<!tpu.dma_semaphore, #tpu.memory_space<semaphore_mem>>, %arg14: memref<!tpu.dma_semaphore, #tpu.memory_space<semaphore_mem>>, %arg15: memref<!tpu.dma_semaphore, #tpu.memory_space<semaphore_mem>>) attributes {dimension_semantics = [#tpu.dimension_semantics<core_parallel>, #tpu.dimension_semantics<subcore_parallel>], iteration_bounds = array<i64: 2, 16>, scalar_prefetch = 0 : i64, scratch_operands = 12 : i64, tpu.core_type = #tpu.core_type<sc_vector_subcore>, window_params = [{transform_indices = #map}, {transform_indices = #map}]} {
    %mul3A = arith.constant 2 : i32
    %mul3A_0 = arith.muli %arg1, %mul3A : i32
    %add3A = arith.addi %mul3A_0, %arg0 : i32
    %iota3A = tpu.iota {dimensions = array<i32: 0>} : vector<16xi32>
    %dma_start3A = arith.constant 0 : i32
    %dma_start3A_1 = arith.constant 0 : i32
    %dma_start3A_2 = tpu.memref_slice %arg2[%add3A, %dma_start3A, %dma_start3A_1] : memref<32x1x160000xf32, #tpu.memory_space<hbm>> -> memref<1x1x16000xf32, #tpu.memory_space<hbm>>
    %dma_start3A_3 = tpu.memref_squeeze %dma_start3A_2 : memref<1x1x16000xf32, #tpu.memory_space<hbm>> -> memref<16000xf32, #tpu.memory_space<hbm>>
    %dma_start3A_4 = arith.constant 0 : i32
    %dma_start3A_5 = tpu.memref_slice %arg2[%add3A, %dma_start3A, %dma_start3A_4] : memref<32x1x160000xf32, #tpu.memory_space<hbm>> -> memref<1x1x16000xf32, #tpu.memory_space<hbm>>
    %dma_start3A_6 = tpu.memref_squeeze %dma_start3A_5 : memref<1x1x16000xf32, #tpu.memory_space<hbm>> -> memref<16000xf32, #tpu.memory_space<hbm>>
    tpu.enqueue_dma source(%dma_start3A_6 : memref<16000xf32, #tpu.memory_space<hbm>>) target(%arg4 : memref<16000xf32, #tpu.memory_space<vmem>>) target_semaphore(%arg8 : memref<!tpu.dma_semaphore, #tpu.memory_space<semaphore_mem>>)
    %dma_start3A_7 = arith.constant 0 : i32
    %dma_start3A_8 = arith.constant 16000 : i32
    %dma_start3A_9 = tpu.memref_slice %arg2[%add3A, %dma_start3A_7, %dma_start3A_8] : memref<32x1x160000xf32, #tpu.memory_space<hbm>> -> memref<1x1x16000xf32, #tpu.memory_space<hbm>>
    %dma_start3A_10 = tpu.memref_squeeze %dma_start3A_9 : memref<1x1x16000xf32, #tpu.memory_space<hbm>> -> memref<16000xf32, #tpu.memory_space<hbm>>
    %dma_start3A_11 = arith.constant 16000 : i32
    %dma_start3A_12 = tpu.memref_slice %arg2[%add3A, %dma_start3A_7, %dma_start3A_11] : memref<32x1x160000xf32, #tpu.memory_space<hbm>> -> memref<1x1x16000xf32, #tpu.memory_space<hbm>>
    %dma_start3A_13 = tpu.memref_squeeze %dma_start3A_12 : memref<1x1x16000xf32, #tpu.memory_space<hbm>> -> memref<16000xf32, #tpu.memory_space<hbm>>
    tpu.enqueue_dma source(%dma_start3A_13 : memref<16000xf32, #tpu.memory_space<hbm>>) target(%arg5 : memref<16000xf32, #tpu.memory_space<vmem>>) target_semaphore(%arg9 : memref<!tpu.dma_semaphore, #tpu.memory_space<semaphore_mem>>)
    %dma_start3A_14 = arith.constant 0 : i32
    %dma_start3A_15 = arith.constant 32000 : i32
    %dma_start3A_16 = tpu.memref_slice %arg2[%add3A, %dma_start3A_14, %dma_start3A_15] : memref<32x1x160000xf32, #tpu.memory_space<hbm>> -> memref<1x1x16000xf32, #tpu.memory_space<hbm>>
    %dma_start3A_17 = tpu.memref_squeeze %dma_start3A_16 : memref<1x1x16000xf32, #tpu.memory_space<hbm>> -> memref<16000xf32, #tpu.memory_space<hbm>>
    %dma_start3A_18 = arith.constant 32000 : i32
    %dma_start3A_19 = tpu.memref_slice %arg2[%add3A, %dma_start3A_14, %dma_start3A_18] : memref<32x1x160000xf32, #tpu.memory_space<hbm>> -> memref<1x1x16000xf32, #tpu.memory_space<hbm>>
    %dma_start3A_20 = tpu.memref_squeeze %dma_start3A_19 : memref<1x1x16000xf32, #tpu.memory_space<hbm>> -> memref<16000xf32, #tpu.memory_space<hbm>>
    tpu.enqueue_dma source(%dma_start3A_20 : memref<16000xf32, #tpu.memory_space<hbm>>) target(%arg6 : memref<16000xf32, #tpu.memory_space<vmem>>) target_semaphore(%arg10 : memref<!tpu.dma_semaphore, #tpu.memory_space<semaphore_mem>>)
    %dma_wait3A = arith.constant 0 : i32
    %dma_wait3A_21 = arith.constant 0 : i32
    %dma_wait3A_22 = tpu.memref_slice %arg2[%add3A, %dma_wait3A, %dma_wait3A_21] : memref<32x1x160000xf32, #tpu.memory_space<hbm>> -> memref<1x1x16000xf32, #tpu.memory_space<hbm>>
    %dma_wait3A_23 = tpu.memref_squeeze %dma_wait3A_22 : memref<1x1x16000xf32, #tpu.memory_space<hbm>> -> memref<16000xf32, #tpu.memory_space<hbm>>
    %dma_wait3A_24 = arith.constant 0 : i32
    %dma_wait3A_25 = tpu.memref_slice %arg2[%add3A, %dma_wait3A, %dma_wait3A_24] : memref<32x1x160000xf32, #tpu.memory_space<hbm>> -> memref<1x1x16000xf32, #tpu.memory_space<hbm>>
    %dma_wait3A_26 = tpu.memref_squeeze %dma_wait3A_25 : memref<1x1x16000xf32, #tpu.memory_space<hbm>> -> memref<16000xf32, #tpu.memory_space<hbm>>
    tpu.wait_dma2 semaphore(%arg8 : memref<!tpu.dma_semaphore, #tpu.memory_space<semaphore_mem>>) src(%dma_wait3A_26 : memref<16000xf32, #tpu.memory_space<hbm>>) dst(%arg4 : memref<16000xf32, #tpu.memory_space<vmem>>)
    %dma_start3A_27 = arith.constant 0 : i32
    %dma_start3A_28 = arith.constant 0 : i32
    %dma_start3A_29 = tpu.memref_slice %arg3[%add3A, %dma_start3A_27, %dma_start3A_28] : memref<32x1x160000xf32, #tpu.memory_space<hbm>> -> memref<1x1x16000xf32, #tpu.memory_space<hbm>>
    %dma_start3A_30 = tpu.memref_squeeze %dma_start3A_29 : memref<1x1x16000xf32, #tpu.memory_space<hbm>> -> memref<16000xf32, #tpu.memory_space<hbm>>
    %dma_start3A_31 = arith.constant 0 : i32
    %dma_start3A_32 = tpu.memref_slice %arg3[%add3A, %dma_start3A_27, %dma_start3A_31] : memref<32x1x160000xf32, #tpu.memory_space<hbm>> -> memref<1x1x16000xf32, #tpu.memory_space<hbm>>
    %dma_start3A_33 = tpu.memref_squeeze %dma_start3A_32 : memref<1x1x16000xf32, #tpu.memory_space<hbm>> -> memref<16000xf32, #tpu.memory_space<hbm>>
    tpu.enqueue_dma source(%arg4 : memref<16000xf32, #tpu.memory_space<vmem>>) target(%dma_start3A_33 : memref<16000xf32, #tpu.memory_space<hbm>>) target_semaphore(%arg12 : memref<!tpu.dma_semaphore, #tpu.memory_space<semaphore_mem>>)
    %dma_start3A_34 = arith.constant 0 : i32
    %dma_start3A_35 = arith.constant 48000 : i32
    %dma_start3A_36 = tpu.memref_slice %arg2[%add3A, %dma_start3A_34, %dma_start3A_35] : memref<32x1x160000xf32, #tpu.memory_space<hbm>> -> memref<1x1x16000xf32, #tpu.memory_space<hbm>>
    %dma_start3A_37 = tpu.memref_squeeze %dma_start3A_36 : memref<1x1x16000xf32, #tpu.memory_space<hbm>> -> memref<16000xf32, #tpu.memory_space<hbm>>
    %dma_start3A_38 = arith.constant 48000 : i32
    %dma_start3A_39 = tpu.memref_slice %arg2[%add3A, %dma_start3A_34, %dma_start3A_38] : memref<32x1x160000xf32, #tpu.memory_space<hbm>> -> memref<1x1x16000xf32, #tpu.memory_space<hbm>>
    %dma_start3A_40 = tpu.memref_squeeze %dma_start3A_39 : memref<1x1x16000xf32, #tpu.memory_space<hbm>> -> memref<16000xf32, #tpu.memory_space<hbm>>
    tpu.enqueue_dma source(%dma_start3A_40 : memref<16000xf32, #tpu.memory_space<hbm>>) target(%arg7 : memref<16000xf32, #tpu.memory_space<vmem>>) target_semaphore(%arg11 : memref<!tpu.dma_semaphore, #tpu.memory_space<semaphore_mem>>)
    %dma_wait3A_41 = arith.constant 0 : i32
    %dma_wait3A_42 = arith.constant 16000 : i32
    %dma_wait3A_43 = tpu.memref_slice %arg2[%add3A, %dma_wait3A_41, %dma_wait3A_42] : memref<32x1x160000xf32, #tpu.memory_space<hbm>> -> memref<1x1x16000xf32, #tpu.memory_space<hbm>>
    %dma_wait3A_44 = tpu.memref_squeeze %dma_wait3A_43 : memref<1x1x16000xf32, #tpu.memory_space<hbm>> -> memref<16000xf32, #tpu.memory_space<hbm>>
    %dma_wait3A_45 = arith.constant 16000 : i32
    %dma_wait3A_46 = tpu.memref_slice %arg2[%add3A, %dma_wait3A_41, %dma_wait3A_45] : memref<32x1x160000xf32, #tpu.memory_space<hbm>> -> memref<1x1x16000xf32, #tpu.memory_space<hbm>>
    %dma_wait3A_47 = tpu.memref_squeeze %dma_wait3A_46 : memref<1x1x16000xf32, #tpu.memory_space<hbm>> -> memref<16000xf32, #tpu.memory_space<hbm>>
    tpu.wait_dma2 semaphore(%arg9 : memref<!tpu.dma_semaphore, #tpu.memory_space<semaphore_mem>>) src(%dma_wait3A_47 : memref<16000xf32, #tpu.memory_space<hbm>>) dst(%arg5 : memref<16000xf32, #tpu.memory_space<vmem>>)
    %dma_start3A_48 = arith.constant 0 : i32
    %dma_start3A_49 = arith.constant 16000 : i32
    %dma_start3A_50 = tpu.memref_slice %arg3[%add3A, %dma_start3A_48, %dma_start3A_49] : memref<32x1x160000xf32, #tpu.memory_space<hbm>> -> memref<1x1x16000xf32, #tpu.memory_space<hbm>>
    %dma_start3A_51 = tpu.memref_squeeze %dma_start3A_50 : memref<1x1x16000xf32, #tpu.memory_space<hbm>> -> memref<16000xf32, #tpu.memory_space<hbm>>
    %dma_start3A_52 = arith.constant 16000 : i32
    %dma_start3A_53 = tpu.memref_slice %arg3[%add3A, %dma_start3A_48, %dma_start3A_52] : memref<32x1x160000xf32, #tpu.memory_space<hbm>> -> memref<1x1x16000xf32, #tpu.memory_space<hbm>>
    %dma_start3A_54 = tpu.memref_squeeze %dma_start3A_53 : memref<1x1x16000xf32, #tpu.memory_space<hbm>> -> memref<16000xf32, #tpu.memory_space<hbm>>
    tpu.enqueue_dma source(%arg5 : memref<16000xf32, #tpu.memory_space<vmem>>) target(%dma_start3A_54 : memref<16000xf32, #tpu.memory_space<hbm>>) target_semaphore(%arg13 : memref<!tpu.dma_semaphore, #tpu.memory_space<semaphore_mem>>)
    %dma_wait3A_55 = arith.constant 0 : i32
    %dma_wait3A_56 = arith.constant 0 : i32
    %dma_wait3A_57 = tpu.memref_slice %arg3[%add3A, %dma_wait3A_55, %dma_wait3A_56] : memref<32x1x160000xf32, #tpu.memory_space<hbm>> -> memref<1x1x16000xf32, #tpu.memory_space<hbm>>
    %dma_wait3A_58 = tpu.memref_squeeze %dma_wait3A_57 : memref<1x1x16000xf32, #tpu.memory_space<hbm>> -> memref<16000xf32, #tpu.memory_space<hbm>>
    %dma_wait3A_59 = arith.constant 0 : i32
    %dma_wait3A_60 = tpu.memref_slice %arg3[%add3A, %dma_wait3A_55, %dma_wait3A_59] : memref<32x1x160000xf32, #tpu.memory_space<hbm>> -> memref<1x1x16000xf32, #tpu.memory_space<hbm>>
    %dma_wait3A_61 = tpu.memref_squeeze %dma_wait3A_60 : memref<1x1x16000xf32, #tpu.memory_space<hbm>> -> memref<16000xf32, #tpu.memory_space<hbm>>
    tpu.wait_dma2 semaphore(%arg12 : memref<!tpu.dma_semaphore, #tpu.memory_space<semaphore_mem>>) src(%arg4 : memref<16000xf32, #tpu.memory_space<vmem>>) dst(%dma_wait3A_61 : memref<16000xf32, #tpu.memory_space<hbm>>)
    %dma_start3A_62 = arith.constant 0 : i32
    %dma_start3A_63 = arith.constant 64000 : i32
    %dma_start3A_64 = tpu.memref_slice %arg2[%add3A, %dma_start3A_62, %dma_start3A_63] : memref<32x1x160000xf32, #tpu.memory_space<hbm>> -> memref<1x1x16000xf32, #tpu.memory_space<hbm>>
    %dma_start3A_65 = tpu.memref_squeeze %dma_start3A_64 : memref<1x1x16000xf32, #tpu.memory_space<hbm>> -> memref<16000xf32, #tpu.memory_space<hbm>>
    %dma_start3A_66 = arith.constant 64000 : i32
    %dma_start3A_67 = tpu.memref_slice %arg2[%add3A, %dma_start3A_62, %dma_start3A_66] : memref<32x1x160000xf32, #tpu.memory_space<hbm>> -> memref<1x1x16000xf32, #tpu.memory_space<hbm>>
    %dma_start3A_68 = tpu.memref_squeeze %dma_start3A_67 : memref<1x1x16000xf32, #tpu.memory_space<hbm>> -> memref<16000xf32, #tpu.memory_space<hbm>>
    tpu.enqueue_dma source(%dma_start3A_68 : memref<16000xf32, #tpu.memory_space<hbm>>) target(%arg4 : memref<16000xf32, #tpu.memory_space<vmem>>) target_semaphore(%arg8 : memref<!tpu.dma_semaphore, #tpu.memory_space<semaphore_mem>>)
    %dma_wait3A_69 = arith.constant 0 : i32
    %dma_wait3A_70 = arith.constant 32000 : i32
    %dma_wait3A_71 = tpu.memref_slice %arg2[%add3A, %dma_wait3A_69, %dma_wait3A_70] : memref<32x1x160000xf32, #tpu.memory_space<hbm>> -> memref<1x1x16000xf32, #tpu.memory_space<hbm>>
    %dma_wait3A_72 = tpu.memref_squeeze %dma_wait3A_71 : memref<1x1x16000xf32, #tpu.memory_space<hbm>> -> memref<16000xf32, #tpu.memory_space<hbm>>
    %dma_wait3A_73 = arith.constant 32000 : i32
    %dma_wait3A_74 = tpu.memref_slice %arg2[%add3A, %dma_wait3A_69, %dma_wait3A_73] : memref<32x1x160000xf32, #tpu.memory_space<hbm>> -> memref<1x1x16000xf32, #tpu.memory_space<hbm>>
    %dma_wait3A_75 = tpu.memref_squeeze %dma_wait3A_74 : memref<1x1x16000xf32, #tpu.memory_space<hbm>> -> memref<16000xf32, #tpu.memory_space<hbm>>
    tpu.wait_dma2 semaphore(%arg10 : memref<!tpu.dma_semaphore, #tpu.memory_space<semaphore_mem>>) src(%dma_wait3A_75 : memref<16000xf32, #tpu.memory_space<hbm>>) dst(%arg6 : memref<16000xf32, #tpu.memory_space<vmem>>)
    %dma_start3A_76 = arith.constant 0 : i32
    %dma_start3A_77 = arith.constant 32000 : i32
    %dma_start3A_78 = tpu.memref_slice %arg3[%add3A, %dma_start3A_76, %dma_start3A_77] : memref<32x1x160000xf32, #tpu.memory_space<hbm>> -> memref<1x1x16000xf32, #tpu.memory_space<hbm>>
    %dma_start3A_79 = tpu.memref_squeeze %dma_start3A_78 : memref<1x1x16000xf32, #tpu.memory_space<hbm>> -> memref<16000xf32, #tpu.memory_space<hbm>>
    %dma_start3A_80 = arith.constant 32000 : i32
    %dma_start3A_81 = tpu.memref_slice %arg3[%add3A, %dma_start3A_76, %dma_start3A_80] : memref<32x1x160000xf32, #tpu.memory_space<hbm>> -> memref<1x1x16000xf32, #tpu.memory_space<hbm>>
    %dma_start3A_82 = tpu.memref_squeeze %dma_start3A_81 : memref<1x1x16000xf32, #tpu.memory_space<hbm>> -> memref<16000xf32, #tpu.memory_space<hbm>>
    tpu.enqueue_dma source(%arg6 : memref<16000xf32, #tpu.memory_space<vmem>>) target(%dma_start3A_82 : memref<16000xf32, #tpu.memory_space<hbm>>) target_semaphore(%arg14 : memref<!tpu.dma_semaphore, #tpu.memory_space<semaphore_mem>>)
    %dma_wait3A_83 = arith.constant 0 : i32
    %dma_wait3A_84 = arith.constant 16000 : i32
    %dma_wait3A_85 = tpu.memref_slice %arg3[%add3A, %dma_wait3A_83, %dma_wait3A_84] : memref<32x1x160000xf32, #tpu.memory_space<hbm>> -> memref<1x1x16000xf32, #tpu.memory_space<hbm>>
    %dma_wait3A_86 = tpu.memref_squeeze %dma_wait3A_85 : memref<1x1x16000xf32, #tpu.memory_space<hbm>> -> memref<16000xf32, #tpu.memory_space<hbm>>
    %dma_wait3A_87 = arith.constant 16000 : i32
    %dma_wait3A_88 = tpu.memref_slice %arg3[%add3A, %dma_wait3A_83, %dma_wait3A_87] : memref<32x1x160000xf32, #tpu.memory_space<hbm>> -> memref<1x1x16000xf32, #tpu.memory_space<hbm>>
    %dma_wait3A_89 = tpu.memref_squeeze %dma_wait3A_88 : memref<1x1x16000xf32, #tpu.memory_space<hbm>> -> memref<16000xf32, #tpu.memory_space<hbm>>
    tpu.wait_dma2 semaphore(%arg13 : memref<!tpu.dma_semaphore, #tpu.memory_space<semaphore_mem>>) src(%arg5 : memref<16000xf32, #tpu.memory_space<vmem>>) dst(%dma_wait3A_89 : memref<16000xf32, #tpu.memory_space<hbm>>)
    %dma_start3A_90 = arith.constant 0 : i32
    %dma_start3A_91 = arith.constant 80000 : i32
    %dma_start3A_92 = tpu.memref_slice %arg2[%add3A, %dma_start3A_90, %dma_start3A_91] : memref<32x1x160000xf32, #tpu.memory_space<hbm>> -> memref<1x1x16000xf32, #tpu.memory_space<hbm>>
    %dma_start3A_93 = tpu.memref_squeeze %dma_start3A_92 : memref<1x1x16000xf32, #tpu.memory_space<hbm>> -> memref<16000xf32, #tpu.memory_space<hbm>>
    %dma_start3A_94 = arith.constant 80000 : i32
    %dma_start3A_95 = tpu.memref_slice %arg2[%add3A, %dma_start3A_90, %dma_start3A_94] : memref<32x1x160000xf32, #tpu.memory_space<hbm>> -> memref<1x1x16000xf32, #tpu.memory_space<hbm>>
    %dma_start3A_96 = tpu.memref_squeeze %dma_start3A_95 : memref<1x1x16000xf32, #tpu.memory_space<hbm>> -> memref<16000xf32, #tpu.memory_space<hbm>>
    tpu.enqueue_dma source(%dma_start3A_96 : memref<16000xf32, #tpu.memory_space<hbm>>) target(%arg5 : memref<16000xf32, #tpu.memory_space<vmem>>) target_semaphore(%arg9 : memref<!tpu.dma_semaphore, #tpu.memory_space<semaphore_mem>>)
    %dma_wait3A_97 = arith.constant 0 : i32
    %dma_wait3A_98 = arith.constant 48000 : i32
    %dma_wait3A_99 = tpu.memref_slice %arg2[%add3A, %dma_wait3A_97, %dma_wait3A_98] : memref<32x1x160000xf32, #tpu.memory_space<hbm>> -> memref<1x1x16000xf32, #tpu.memory_space<hbm>>
    %dma_wait3A_100 = tpu.memref_squeeze %dma_wait3A_99 : memref<1x1x16000xf32, #tpu.memory_space<hbm>> -> memref<16000xf32, #tpu.memory_space<hbm>>
    %dma_wait3A_101 = arith.constant 48000 : i32
    %dma_wait3A_102 = tpu.memref_slice %arg2[%add3A, %dma_wait3A_97, %dma_wait3A_101] : memref<32x1x160000xf32, #tpu.memory_space<hbm>> -> memref<1x1x16000xf32, #tpu.memory_space<hbm>>
    %dma_wait3A_103 = tpu.memref_squeeze %dma_wait3A_102 : memref<1x1x16000xf32, #tpu.memory_space<hbm>> -> memref<16000xf32, #tpu.memory_space<hbm>>
    tpu.wait_dma2 semaphore(%arg11 : memref<!tpu.dma_semaphore, #tpu.memory_space<semaphore_mem>>) src(%dma_wait3A_103 : memref<16000xf32, #tpu.memory_space<hbm>>) dst(%arg7 : memref<16000xf32, #tpu.memory_space<vmem>>)
    %dma_start3A_104 = arith.constant 0 : i32
    %dma_start3A_105 = arith.constant 48000 : i32
    %dma_start3A_106 = tpu.memref_slice %arg3[%add3A, %dma_start3A_104, %dma_start3A_105] : memref<32x1x160000xf32, #tpu.memory_space<hbm>> -> memref<1x1x16000xf32, #tpu.memory_space<hbm>>
    %dma_start3A_107 = tpu.memref_squeeze %dma_start3A_106 : memref<1x1x16000xf32, #tpu.memory_space<hbm>> -> memref<16000xf32, #tpu.memory_space<hbm>>
    %dma_start3A_108 = arith.constant 48000 : i32
    %dma_start3A_109 = tpu.memref_slice %arg3[%add3A, %dma_start3A_104, %dma_start3A_108] : memref<32x1x160000xf32, #tpu.memory_space<hbm>> -> memref<1x1x16000xf32, #tpu.memory_space<hbm>>
    %dma_start3A_110 = tpu.memref_squeeze %dma_start3A_109 : memref<1x1x16000xf32, #tpu.memory_space<hbm>> -> memref<16000xf32, #tpu.memory_space<hbm>>
    tpu.enqueue_dma source(%arg7 : memref<16000xf32, #tpu.memory_space<vmem>>) target(%dma_start3A_110 : memref<16000xf32, #tpu.memory_space<hbm>>) target_semaphore(%arg15 : memref<!tpu.dma_semaphore, #tpu.memory_space<semaphore_mem>>)
    %dma_wait3A_111 = arith.constant 0 : i32
    %dma_wait3A_112 = arith.constant 32000 : i32
    %dma_wait3A_113 = tpu.memref_slice %arg3[%add3A, %dma_wait3A_111, %dma_wait3A_112] : memref<32x1x160000xf32, #tpu.memory_space<hbm>> -> memref<1x1x16000xf32, #tpu.memory_space<hbm>>
    %dma_wait3A_114 = tpu.memref_squeeze %dma_wait3A_113 : memref<1x1x16000xf32, #tpu.memory_space<hbm>> -> memref<16000xf32, #tpu.memory_space<hbm>>
    %dma_wait3A_115 = arith.constant 32000 : i32
    %dma_wait3A_116 = tpu.memref_slice %arg3[%add3A, %dma_wait3A_111, %dma_wait3A_115] : memref<32x1x160000xf32, #tpu.memory_space<hbm>> -> memref<1x1x16000xf32, #tpu.memory_space<hbm>>
    %dma_wait3A_117 = tpu.memref_squeeze %dma_wait3A_116 : memref<1x1x16000xf32, #tpu.memory_space<hbm>> -> memref<16000xf32, #tpu.memory_space<hbm>>
    tpu.wait_dma2 semaphore(%arg14 : memref<!tpu.dma_semaphore, #tpu.memory_space<semaphore_mem>>) src(%arg6 : memref<16000xf32, #tpu.memory_space<vmem>>) dst(%dma_wait3A_117 : memref<16000xf32, #tpu.memory_space<hbm>>)
    %dma_start3A_118 = arith.constant 0 : i32
    %dma_start3A_119 = arith.constant 96000 : i32
    %dma_start3A_120 = tpu.memref_slice %arg2[%add3A, %dma_start3A_118, %dma_start3A_119] : memref<32x1x160000xf32, #tpu.memory_space<hbm>> -> memref<1x1x16000xf32, #tpu.memory_space<hbm>>
    %dma_start3A_121 = tpu.memref_squeeze %dma_start3A_120 : memref<1x1x16000xf32, #tpu.memory_space<hbm>> -> memref<16000xf32, #tpu.memory_space<hbm>>
    %dma_start3A_122 = arith.constant 96000 : i32
    %dma_start3A_123 = tpu.memref_slice %arg2[%add3A, %dma_start3A_118, %dma_start3A_122] : memref<32x1x160000xf32, #tpu.memory_space<hbm>> -> memref<1x1x16000xf32, #tpu.memory_space<hbm>>
    %dma_start3A_124 = tpu.memref_squeeze %dma_start3A_123 : memref<1x1x16000xf32, #tpu.memory_space<hbm>> -> memref<16000xf32, #tpu.memory_space<hbm>>
    tpu.enqueue_dma source(%dma_start3A_124 : memref<16000xf32, #tpu.memory_space<hbm>>) target(%arg6 : memref<16000xf32, #tpu.memory_space<vmem>>) target_semaphore(%arg10 : memref<!tpu.dma_semaphore, #tpu.memory_space<semaphore_mem>>)
    %dma_wait3A_125 = arith.constant 0 : i32
    %dma_wait3A_126 = arith.constant 64000 : i32
    %dma_wait3A_127 = tpu.memref_slice %arg2[%add3A, %dma_wait3A_125, %dma_wait3A_126] : memref<32x1x160000xf32, #tpu.memory_space<hbm>> -> memref<1x1x16000xf32, #tpu.memory_space<hbm>>
    %dma_wait3A_128 = tpu.memref_squeeze %dma_wait3A_127 : memref<1x1x16000xf32, #tpu.memory_space<hbm>> -> memref<16000xf32, #tpu.memory_space<hbm>>
    %dma_wait3A_129 = arith.constant 64000 : i32
    %dma_wait3A_130 = tpu.memref_slice %arg2[%add3A, %dma_wait3A_125, %dma_wait3A_129] : memref<32x1x160000xf32, #tpu.memory_space<hbm>> -> memref<1x1x16000xf32, #tpu.memory_space<hbm>>
    %dma_wait3A_131 = tpu.memref_squeeze %dma_wait3A_130 : memref<1x1x16000xf32, #tpu.memory_space<hbm>> -> memref<16000xf32, #tpu.memory_space<hbm>>
    tpu.wait_dma2 semaphore(%arg8 : memref<!tpu.dma_semaphore, #tpu.memory_space<semaphore_mem>>) src(%dma_wait3A_131 : memref<16000xf32, #tpu.memory_space<hbm>>) dst(%arg4 : memref<16000xf32, #tpu.memory_space<vmem>>)
    %dma_start3A_132 = arith.constant 0 : i32
    %dma_start3A_133 = arith.constant 64000 : i32
    %dma_start3A_134 = tpu.memref_slice %arg3[%add3A, %dma_start3A_132, %dma_start3A_133] : memref<32x1x160000xf32, #tpu.memory_space<hbm>> -> memref<1x1x16000xf32, #tpu.memory_space<hbm>>
    %dma_start3A_135 = tpu.memref_squeeze %dma_start3A_134 : memref<1x1x16000xf32, #tpu.memory_space<hbm>> -> memref<16000xf32, #tpu.memory_space<hbm>>
    %dma_start3A_136 = arith.constant 64000 : i32
    %dma_start3A_137 = tpu.memref_slice %arg3[%add3A, %dma_start3A_132, %dma_start3A_136] : memref<32x1x160000xf32, #tpu.memory_space<hbm>> -> memref<1x1x16000xf32, #tpu.memory_space<hbm>>
    %dma_start3A_138 = tpu.memref_squeeze %dma_start3A_137 : memref<1x1x16000xf32, #tpu.memory_space<hbm>> -> memref<16000xf32, #tpu.memory_space<hbm>>
    tpu.enqueue_dma source(%arg4 : memref<16000xf32, #tpu.memory_space<vmem>>) target(%dma_start3A_138 : memref<16000xf32, #tpu.memory_space<hbm>>) target_semaphore(%arg12 : memref<!tpu.dma_semaphore, #tpu.memory_space<semaphore_mem>>)
    %dma_wait3A_139 = arith.constant 0 : i32
    %dma_wait3A_140 = arith.constant 48000 : i32
    %dma_wait3A_141 = tpu.memref_slice %arg3[%add3A, %dma_wait3A_139, %dma_wait3A_140] : memref<32x1x160000xf32, #tpu.memory_space<hbm>> -> memref<1x1x16000xf32, #tpu.memory_space<hbm>>
    %dma_wait3A_142 = tpu.memref_squeeze %dma_wait3A_141 : memref<1x1x16000xf32, #tpu.memory_space<hbm>> -> memref<16000xf32, #tpu.memory_space<hbm>>
    %dma_wait3A_143 = arith.constant 48000 : i32
    %dma_wait3A_144 = tpu.memref_slice %arg3[%add3A, %dma_wait3A_139, %dma_wait3A_143] : memref<32x1x160000xf32, #tpu.memory_space<hbm>> -> memref<1x1x16000xf32, #tpu.memory_space<hbm>>
    %dma_wait3A_145 = tpu.memref_squeeze %dma_wait3A_144 : memref<1x1x16000xf32, #tpu.memory_space<hbm>> -> memref<16000xf32, #tpu.memory_space<hbm>>
    tpu.wait_dma2 semaphore(%arg15 : memref<!tpu.dma_semaphore, #tpu.memory_space<semaphore_mem>>) src(%arg7 : memref<16000xf32, #tpu.memory_space<vmem>>) dst(%dma_wait3A_145 : memref<16000xf32, #tpu.memory_space<hbm>>)
    %dma_start3A_146 = arith.constant 0 : i32
    %dma_start3A_147 = arith.constant 112000 : i32
    %dma_start3A_148 = tpu.memref_slice %arg2[%add3A, %dma_start3A_146, %dma_start3A_147] : memref<32x1x160000xf32, #tpu.memory_space<hbm>> -> memref<1x1x16000xf32, #tpu.memory_space<hbm>>
    %dma_start3A_149 = tpu.memref_squeeze %dma_start3A_148 : memref<1x1x16000xf32, #tpu.memory_space<hbm>> -> memref<16000xf32, #tpu.memory_space<hbm>>
    %dma_start3A_150 = arith.constant 112000 : i32
    %dma_start3A_151 = tpu.memref_slice %arg2[%add3A, %dma_start3A_146, %dma_start3A_150] : memref<32x1x160000xf32, #tpu.memory_space<hbm>> -> memref<1x1x16000xf32, #tpu.memory_space<hbm>>
    %dma_start3A_152 = tpu.memref_squeeze %dma_start3A_151 : memref<1x1x16000xf32, #tpu.memory_space<hbm>> -> memref<16000xf32, #tpu.memory_space<hbm>>
    tpu.enqueue_dma source(%dma_start3A_152 : memref<16000xf32, #tpu.memory_space<hbm>>) target(%arg7 : memref<16000xf32, #tpu.memory_space<vmem>>) target_semaphore(%arg11 : memref<!tpu.dma_semaphore, #tpu.memory_space<semaphore_mem>>)
    %dma_wait3A_153 = arith.constant 0 : i32
    %dma_wait3A_154 = arith.constant 80000 : i32
    %dma_wait3A_155 = tpu.memref_slice %arg2[%add3A, %dma_wait3A_153, %dma_wait3A_154] : memref<32x1x160000xf32, #tpu.memory_space<hbm>> -> memref<1x1x16000xf32, #tpu.memory_space<hbm>>
    %dma_wait3A_156 = tpu.memref_squeeze %dma_wait3A_155 : memref<1x1x16000xf32, #tpu.memory_space<hbm>> -> memref<16000xf32, #tpu.memory_space<hbm>>
    %dma_wait3A_157 = arith.constant 80000 : i32
    %dma_wait3A_158 = tpu.memref_slice %arg2[%add3A, %dma_wait3A_153, %dma_wait3A_157] : memref<32x1x160000xf32, #tpu.memory_space<hbm>> -> memref<1x1x16000xf32, #tpu.memory_space<hbm>>
    %dma_wait3A_159 = tpu.memref_squeeze %dma_wait3A_158 : memref<1x1x16000xf32, #tpu.memory_space<hbm>> -> memref<16000xf32, #tpu.memory_space<hbm>>
    tpu.wait_dma2 semaphore(%arg9 : memref<!tpu.dma_semaphore, #tpu.memory_space<semaphore_mem>>) src(%dma_wait3A_159 : memref<16000xf32, #tpu.memory_space<hbm>>) dst(%arg5 : memref<16000xf32, #tpu.memory_space<vmem>>)
    %dma_start3A_160 = arith.constant 0 : i32
    %dma_start3A_161 = arith.constant 80000 : i32
    %dma_start3A_162 = tpu.memref_slice %arg3[%add3A, %dma_start3A_160, %dma_start3A_161] : memref<32x1x160000xf32, #tpu.memory_space<hbm>> -> memref<1x1x16000xf32, #tpu.memory_space<hbm>>
    %dma_start3A_163 = tpu.memref_squeeze %dma_start3A_162 : memref<1x1x16000xf32, #tpu.memory_space<hbm>> -> memref<16000xf32, #tpu.memory_space<hbm>>
    %dma_start3A_164 = arith.constant 80000 : i32
    %dma_start3A_165 = tpu.memref_slice %arg3[%add3A, %dma_start3A_160, %dma_start3A_164] : memref<32x1x160000xf32, #tpu.memory_space<hbm>> -> memref<1x1x16000xf32, #tpu.memory_space<hbm>>
    %dma_start3A_166 = tpu.memref_squeeze %dma_start3A_165 : memref<1x1x16000xf32, #tpu.memory_space<hbm>> -> memref<16000xf32, #tpu.memory_space<hbm>>
    tpu.enqueue_dma source(%arg5 : memref<16000xf32, #tpu.memory_space<vmem>>) target(%dma_start3A_166 : memref<16000xf32, #tpu.memory_space<hbm>>) target_semaphore(%arg13 : memref<!tpu.dma_semaphore, #tpu.memory_space<semaphore_mem>>)
    %dma_wait3A_167 = arith.constant 0 : i32
    %dma_wait3A_168 = arith.constant 64000 : i32
    %dma_wait3A_169 = tpu.memref_slice %arg3[%add3A, %dma_wait3A_167, %dma_wait3A_168] : memref<32x1x160000xf32, #tpu.memory_space<hbm>> -> memref<1x1x16000xf32, #tpu.memory_space<hbm>>
    %dma_wait3A_170 = tpu.memref_squeeze %dma_wait3A_169 : memref<1x1x16000xf32, #tpu.memory_space<hbm>> -> memref<16000xf32, #tpu.memory_space<hbm>>
    %dma_wait3A_171 = arith.constant 64000 : i32
    %dma_wait3A_172 = tpu.memref_slice %arg3[%add3A, %dma_wait3A_167, %dma_wait3A_171] : memref<32x1x160000xf32, #tpu.memory_space<hbm>> -> memref<1x1x16000xf32, #tpu.memory_space<hbm>>
    %dma_wait3A_173 = tpu.memref_squeeze %dma_wait3A_172 : memref<1x1x16000xf32, #tpu.memory_space<hbm>> -> memref<16000xf32, #tpu.memory_space<hbm>>
    tpu.wait_dma2 semaphore(%arg12 : memref<!tpu.dma_semaphore, #tpu.memory_space<semaphore_mem>>) src(%arg4 : memref<16000xf32, #tpu.memory_space<vmem>>) dst(%dma_wait3A_173 : memref<16000xf32, #tpu.memory_space<hbm>>)
    %dma_start3A_174 = arith.constant 0 : i32
    %dma_start3A_175 = arith.constant 128000 : i32
    %dma_start3A_176 = tpu.memref_slice %arg2[%add3A, %dma_start3A_174, %dma_start3A_175] : memref<32x1x160000xf32, #tpu.memory_space<hbm>> -> memref<1x1x16000xf32, #tpu.memory_space<hbm>>
    %dma_start3A_177 = tpu.memref_squeeze %dma_start3A_176 : memref<1x1x16000xf32, #tpu.memory_space<hbm>> -> memref<16000xf32, #tpu.memory_space<hbm>>
    %dma_start3A_178 = arith.constant 128000 : i32
    %dma_start3A_179 = tpu.memref_slice %arg2[%add3A, %dma_start3A_174, %dma_start3A_178] : memref<32x1x160000xf32, #tpu.memory_space<hbm>> -> memref<1x1x16000xf32, #tpu.memory_space<hbm>>
    %dma_start3A_180 = tpu.memref_squeeze %dma_start3A_179 : memref<1x1x16000xf32, #tpu.memory_space<hbm>> -> memref<16000xf32, #tpu.memory_space<hbm>>
    tpu.enqueue_dma source(%dma_start3A_180 : memref<16000xf32, #tpu.memory_space<hbm>>) target(%arg4 : memref<16000xf32, #tpu.memory_space<vmem>>) target_semaphore(%arg8 : memref<!tpu.dma_semaphore, #tpu.memory_space<semaphore_mem>>)
    %dma_wait3A_181 = arith.constant 0 : i32
    %dma_wait3A_182 = arith.constant 96000 : i32
    %dma_wait3A_183 = tpu.memref_slice %arg2[%add3A, %dma_wait3A_181, %dma_wait3A_182] : memref<32x1x160000xf32, #tpu.memory_space<hbm>> -> memref<1x1x16000xf32, #tpu.memory_space<hbm>>
    %dma_wait3A_184 = tpu.memref_squeeze %dma_wait3A_183 : memref<1x1x16000xf32, #tpu.memory_space<hbm>> -> memref<16000xf32, #tpu.memory_space<hbm>>
    %dma_wait3A_185 = arith.constant 96000 : i32
    %dma_wait3A_186 = tpu.memref_slice %arg2[%add3A, %dma_wait3A_181, %dma_wait3A_185] : memref<32x1x160000xf32, #tpu.memory_space<hbm>> -> memref<1x1x16000xf32, #tpu.memory_space<hbm>>
    %dma_wait3A_187 = tpu.memref_squeeze %dma_wait3A_186 : memref<1x1x16000xf32, #tpu.memory_space<hbm>> -> memref<16000xf32, #tpu.memory_space<hbm>>
    tpu.wait_dma2 semaphore(%arg10 : memref<!tpu.dma_semaphore, #tpu.memory_space<semaphore_mem>>) src(%dma_wait3A_187 : memref<16000xf32, #tpu.memory_space<hbm>>) dst(%arg6 : memref<16000xf32, #tpu.memory_space<vmem>>)
    %dma_start3A_188 = arith.constant 0 : i32
    %dma_start3A_189 = arith.constant 96000 : i32
    %dma_start3A_190 = tpu.memref_slice %arg3[%add3A, %dma_start3A_188, %dma_start3A_189] : memref<32x1x160000xf32, #tpu.memory_space<hbm>> -> memref<1x1x16000xf32, #tpu.memory_space<hbm>>
    %dma_start3A_191 = tpu.memref_squeeze %dma_start3A_190 : memref<1x1x16000xf32, #tpu.memory_space<hbm>> -> memref<16000xf32, #tpu.memory_space<hbm>>
    %dma_start3A_192 = arith.constant 96000 : i32
    %dma_start3A_193 = tpu.memref_slice %arg3[%add3A, %dma_start3A_188, %dma_start3A_192] : memref<32x1x160000xf32, #tpu.memory_space<hbm>> -> memref<1x1x16000xf32, #tpu.memory_space<hbm>>
    %dma_start3A_194 = tpu.memref_squeeze %dma_start3A_193 : memref<1x1x16000xf32, #tpu.memory_space<hbm>> -> memref<16000xf32, #tpu.memory_space<hbm>>
    tpu.enqueue_dma source(%arg6 : memref<16000xf32, #tpu.memory_space<vmem>>) target(%dma_start3A_194 : memref<16000xf32, #tpu.memory_space<hbm>>) target_semaphore(%arg14 : memref<!tpu.dma_semaphore, #tpu.memory_space<semaphore_mem>>)
    %dma_wait3A_195 = arith.constant 0 : i32
    %dma_wait3A_196 = arith.constant 80000 : i32
    %dma_wait3A_197 = tpu.memref_slice %arg3[%add3A, %dma_wait3A_195, %dma_wait3A_196] : memref<32x1x160000xf32, #tpu.memory_space<hbm>> -> memref<1x1x16000xf32, #tpu.memory_space<hbm>>
    %dma_wait3A_198 = tpu.memref_squeeze %dma_wait3A_197 : memref<1x1x16000xf32, #tpu.memory_space<hbm>> -> memref<16000xf32, #tpu.memory_space<hbm>>
    %dma_wait3A_199 = arith.constant 80000 : i32
    %dma_wait3A_200 = tpu.memref_slice %arg3[%add3A, %dma_wait3A_195, %dma_wait3A_199] : memref<32x1x160000xf32, #tpu.memory_space<hbm>> -> memref<1x1x16000xf32, #tpu.memory_space<hbm>>
    %dma_wait3A_201 = tpu.memref_squeeze %dma_wait3A_200 : memref<1x1x16000xf32, #tpu.memory_space<hbm>> -> memref<16000xf32, #tpu.memory_space<hbm>>
    tpu.wait_dma2 semaphore(%arg13 : memref<!tpu.dma_semaphore, #tpu.memory_space<semaphore_mem>>) src(%arg5 : memref<16000xf32, #tpu.memory_space<vmem>>) dst(%dma_wait3A_201 : memref<16000xf32, #tpu.memory_space<hbm>>)
    %dma_start3A_202 = arith.constant 0 : i32
    %dma_start3A_203 = arith.constant 144000 : i32
    %dma_start3A_204 = tpu.memref_slice %arg2[%add3A, %dma_start3A_202, %dma_start3A_203] : memref<32x1x160000xf32, #tpu.memory_space<hbm>> -> memref<1x1x16000xf32, #tpu.memory_space<hbm>>
    %dma_start3A_205 = tpu.memref_squeeze %dma_start3A_204 : memref<1x1x16000xf32, #tpu.memory_space<hbm>> -> memref<16000xf32, #tpu.memory_space<hbm>>
    %dma_start3A_206 = arith.constant 144000 : i32
    %dma_start3A_207 = tpu.memref_slice %arg2[%add3A, %dma_start3A_202, %dma_start3A_206] : memref<32x1x160000xf32, #tpu.memory_space<hbm>> -> memref<1x1x16000xf32, #tpu.memory_space<hbm>>
    %dma_start3A_208 = tpu.memref_squeeze %dma_start3A_207 : memref<1x1x16000xf32, #tpu.memory_space<hbm>> -> memref<16000xf32, #tpu.memory_space<hbm>>
    tpu.enqueue_dma source(%dma_start3A_208 : memref<16000xf32, #tpu.memory_space<hbm>>) target(%arg5 : memref<16000xf32, #tpu.memory_space<vmem>>) target_semaphore(%arg9 : memref<!tpu.dma_semaphore, #tpu.memory_space<semaphore_mem>>)
    %dma_wait3A_209 = arith.constant 0 : i32
    %dma_wait3A_210 = arith.constant 112000 : i32
    %dma_wait3A_211 = tpu.memref_slice %arg2[%add3A, %dma_wait3A_209, %dma_wait3A_210] : memref<32x1x160000xf32, #tpu.memory_space<hbm>> -> memref<1x1x16000xf32, #tpu.memory_space<hbm>>
    %dma_wait3A_212 = tpu.memref_squeeze %dma_wait3A_211 : memref<1x1x16000xf32, #tpu.memory_space<hbm>> -> memref<16000xf32, #tpu.memory_space<hbm>>
    %dma_wait3A_213 = arith.constant 112000 : i32
    %dma_wait3A_214 = tpu.memref_slice %arg2[%add3A, %dma_wait3A_209, %dma_wait3A_213] : memref<32x1x160000xf32, #tpu.memory_space<hbm>> -> memref<1x1x16000xf32, #tpu.memory_space<hbm>>
    %dma_wait3A_215 = tpu.memref_squeeze %dma_wait3A_214 : memref<1x1x16000xf32, #tpu.memory_space<hbm>> -> memref<16000xf32, #tpu.memory_space<hbm>>
    tpu.wait_dma2 semaphore(%arg11 : memref<!tpu.dma_semaphore, #tpu.memory_space<semaphore_mem>>) src(%dma_wait3A_215 : memref<16000xf32, #tpu.memory_space<hbm>>) dst(%arg7 : memref<16000xf32, #tpu.memory_space<vmem>>)
    %dma_start3A_216 = arith.constant 0 : i32
    %dma_start3A_217 = arith.constant 112000 : i32
    %dma_start3A_218 = tpu.memref_slice %arg3[%add3A, %dma_start3A_216, %dma_start3A_217] : memref<32x1x160000xf32, #tpu.memory_space<hbm>> -> memref<1x1x16000xf32, #tpu.memory_space<hbm>>
    %dma_start3A_219 = tpu.memref_squeeze %dma_start3A_218 : memref<1x1x16000xf32, #tpu.memory_space<hbm>> -> memref<16000xf32, #tpu.memory_space<hbm>>
    %dma_start3A_220 = arith.constant 112000 : i32
    %dma_start3A_221 = tpu.memref_slice %arg3[%add3A, %dma_start3A_216, %dma_start3A_220] : memref<32x1x160000xf32, #tpu.memory_space<hbm>> -> memref<1x1x16000xf32, #tpu.memory_space<hbm>>
    %dma_start3A_222 = tpu.memref_squeeze %dma_start3A_221 : memref<1x1x16000xf32, #tpu.memory_space<hbm>> -> memref<16000xf32, #tpu.memory_space<hbm>>
    tpu.enqueue_dma source(%arg7 : memref<16000xf32, #tpu.memory_space<vmem>>) target(%dma_start3A_222 : memref<16000xf32, #tpu.memory_space<hbm>>) target_semaphore(%arg15 : memref<!tpu.dma_semaphore, #tpu.memory_space<semaphore_mem>>)
    %dma_wait3A_223 = arith.constant 0 : i32
    %dma_wait3A_224 = arith.constant 128000 : i32
    %dma_wait3A_225 = tpu.memref_slice %arg2[%add3A, %dma_wait3A_223, %dma_wait3A_224] : memref<32x1x160000xf32, #tpu.memory_space<hbm>> -> memref<1x1x16000xf32, #tpu.memory_space<hbm>>
    %dma_wait3A_226 = tpu.memref_squeeze %dma_wait3A_225 : memref<1x1x16000xf32, #tpu.memory_space<hbm>> -> memref<16000xf32, #tpu.memory_space<hbm>>
    %dma_wait3A_227 = arith.constant 128000 : i32
    %dma_wait3A_228 = tpu.memref_slice %arg2[%add3A, %dma_wait3A_223, %dma_wait3A_227] : memref<32x1x160000xf32, #tpu.memory_space<hbm>> -> memref<1x1x16000xf32, #tpu.memory_space<hbm>>
    %dma_wait3A_229 = tpu.memref_squeeze %dma_wait3A_228 : memref<1x1x16000xf32, #tpu.memory_space<hbm>> -> memref<16000xf32, #tpu.memory_space<hbm>>
    tpu.wait_dma2 semaphore(%arg8 : memref<!tpu.dma_semaphore, #tpu.memory_space<semaphore_mem>>) src(%dma_wait3A_229 : memref<16000xf32, #tpu.memory_space<hbm>>) dst(%arg4 : memref<16000xf32, #tpu.memory_space<vmem>>)
    %dma_start3A_230 = arith.constant 0 : i32
    %dma_start3A_231 = arith.constant 128000 : i32
    %dma_start3A_232 = tpu.memref_slice %arg3[%add3A, %dma_start3A_230, %dma_start3A_231] : memref<32x1x160000xf32, #tpu.memory_space<hbm>> -> memref<1x1x16000xf32, #tpu.memory_space<hbm>>
    %dma_start3A_233 = tpu.memref_squeeze %dma_start3A_232 : memref<1x1x16000xf32, #tpu.memory_space<hbm>> -> memref<16000xf32, #tpu.memory_space<hbm>>
    %dma_start3A_234 = arith.constant 128000 : i32
    %dma_start3A_235 = tpu.memref_slice %arg3[%add3A, %dma_start3A_230, %dma_start3A_234] : memref<32x1x160000xf32, #tpu.memory_space<hbm>> -> memref<1x1x16000xf32, #tpu.memory_space<hbm>>
    %dma_start3A_236 = tpu.memref_squeeze %dma_start3A_235 : memref<1x1x16000xf32, #tpu.memory_space<hbm>> -> memref<16000xf32, #tpu.memory_space<hbm>>
    tpu.enqueue_dma source(%arg4 : memref<16000xf32, #tpu.memory_space<vmem>>) target(%dma_start3A_236 : memref<16000xf32, #tpu.memory_space<hbm>>) target_semaphore(%arg12 : memref<!tpu.dma_semaphore, #tpu.memory_space<semaphore_mem>>)
    %dma_wait3A_237 = arith.constant 0 : i32
    %dma_wait3A_238 = arith.constant 144000 : i32
    %dma_wait3A_239 = tpu.memref_slice %arg2[%add3A, %dma_wait3A_237, %dma_wait3A_238] : memref<32x1x160000xf32, #tpu.memory_space<hbm>> -> memref<1x1x16000xf32, #tpu.memory_space<hbm>>
    %dma_wait3A_240 = tpu.memref_squeeze %dma_wait3A_239 : memref<1x1x16000xf32, #tpu.memory_space<hbm>> -> memref<16000xf32, #tpu.memory_space<hbm>>
    %dma_wait3A_241 = arith.constant 144000 : i32
    %dma_wait3A_242 = tpu.memref_slice %arg2[%add3A, %dma_wait3A_237, %dma_wait3A_241] : memref<32x1x160000xf32, #tpu.memory_space<hbm>> -> memref<1x1x16000xf32, #tpu.memory_space<hbm>>
    %dma_wait3A_243 = tpu.memref_squeeze %dma_wait3A_242 : memref<1x1x16000xf32, #tpu.memory_space<hbm>> -> memref<16000xf32, #tpu.memory_space<hbm>>
    tpu.wait_dma2 semaphore(%arg9 : memref<!tpu.dma_semaphore, #tpu.memory_space<semaphore_mem>>) src(%dma_wait3A_243 : memref<16000xf32, #tpu.memory_space<hbm>>) dst(%arg5 : memref<16000xf32, #tpu.memory_space<vmem>>)
    %dma_start3A_244 = arith.constant 0 : i32
    %dma_start3A_245 = arith.constant 144000 : i32
    %dma_start3A_246 = tpu.memref_slice %arg3[%add3A, %dma_start3A_244, %dma_start3A_245] : memref<32x1x160000xf32, #tpu.memory_space<hbm>> -> memref<1x1x16000xf32, #tpu.memory_space<hbm>>
    %dma_start3A_247 = tpu.memref_squeeze %dma_start3A_246 : memref<1x1x16000xf32, #tpu.memory_space<hbm>> -> memref<16000xf32, #tpu.memory_space<hbm>>
    %dma_start3A_248 = arith.constant 144000 : i32
    %dma_start3A_249 = tpu.memref_slice %arg3[%add3A, %dma_start3A_244, %dma_start3A_248] : memref<32x1x160000xf32, #tpu.memory_space<hbm>> -> memref<1x1x16000xf32, #tpu.memory_space<hbm>>
    %dma_start3A_250 = tpu.memref_squeeze %dma_start3A_249 : memref<1x1x16000xf32, #tpu.memory_space<hbm>> -> memref<16000xf32, #tpu.memory_space<hbm>>
    tpu.enqueue_dma source(%arg5 : memref<16000xf32, #tpu.memory_space<vmem>>) target(%dma_start3A_250 : memref<16000xf32, #tpu.memory_space<hbm>>) target_semaphore(%arg13 : memref<!tpu.dma_semaphore, #tpu.memory_space<semaphore_mem>>)
    %dma_wait3A_251 = arith.constant 0 : i32
    %dma_wait3A_252 = arith.constant 96000 : i32
    %dma_wait3A_253 = tpu.memref_slice %arg3[%add3A, %dma_wait3A_251, %dma_wait3A_252] : memref<32x1x160000xf32, #tpu.memory_space<hbm>> -> memref<1x1x16000xf32, #tpu.memory_space<hbm>>
    %dma_wait3A_254 = tpu.memref_squeeze %dma_wait3A_253 : memref<1x1x16000xf32, #tpu.memory_space<hbm>> -> memref<16000xf32, #tpu.memory_space<hbm>>
    %dma_wait3A_255 = arith.constant 96000 : i32
    %dma_wait3A_256 = tpu.memref_slice %arg3[%add3A, %dma_wait3A_251, %dma_wait3A_255] : memref<32x1x160000xf32, #tpu.memory_space<hbm>> -> memref<1x1x16000xf32, #tpu.memory_space<hbm>>
    %dma_wait3A_257 = tpu.memref_squeeze %dma_wait3A_256 : memref<1x1x16000xf32, #tpu.memory_space<hbm>> -> memref<16000xf32, #tpu.memory_space<hbm>>
    tpu.wait_dma2 semaphore(%arg14 : memref<!tpu.dma_semaphore, #tpu.memory_space<semaphore_mem>>) src(%arg6 : memref<16000xf32, #tpu.memory_space<vmem>>) dst(%dma_wait3A_257 : memref<16000xf32, #tpu.memory_space<hbm>>)
    %dma_wait3A_258 = arith.constant 0 : i32
    %dma_wait3A_259 = arith.constant 112000 : i32
    %dma_wait3A_260 = tpu.memref_slice %arg3[%add3A, %dma_wait3A_258, %dma_wait3A_259] : memref<32x1x160000xf32, #tpu.memory_space<hbm>> -> memref<1x1x16000xf32, #tpu.memory_space<hbm>>
    %dma_wait3A_261 = tpu.memref_squeeze %dma_wait3A_260 : memref<1x1x16000xf32, #tpu.memory_space<hbm>> -> memref<16000xf32, #tpu.memory_space<hbm>>
    %dma_wait3A_262 = arith.constant 112000 : i32
    %dma_wait3A_263 = tpu.memref_slice %arg3[%add3A, %dma_wait3A_258, %dma_wait3A_262] : memref<32x1x160000xf32, #tpu.memory_space<hbm>> -> memref<1x1x16000xf32, #tpu.memory_space<hbm>>
    %dma_wait3A_264 = tpu.memref_squeeze %dma_wait3A_263 : memref<1x1x16000xf32, #tpu.memory_space<hbm>> -> memref<16000xf32, #tpu.memory_space<hbm>>
    tpu.wait_dma2 semaphore(%arg15 : memref<!tpu.dma_semaphore, #tpu.memory_space<semaphore_mem>>) src(%arg7 : memref<16000xf32, #tpu.memory_space<vmem>>) dst(%dma_wait3A_264 : memref<16000xf32, #tpu.memory_space<hbm>>)
    %dma_wait3A_265 = arith.constant 0 : i32
    %dma_wait3A_266 = arith.constant 128000 : i32
    %dma_wait3A_267 = tpu.memref_slice %arg3[%add3A, %dma_wait3A_265, %dma_wait3A_266] : memref<32x1x160000xf32, #tpu.memory_space<hbm>> -> memref<1x1x16000xf32, #tpu.memory_space<hbm>>
    %dma_wait3A_268 = tpu.memref_squeeze %dma_wait3A_267 : memref<1x1x16000xf32, #tpu.memory_space<hbm>> -> memref<16000xf32, #tpu.memory_space<hbm>>
    %dma_wait3A_269 = arith.constant 128000 : i32
    %dma_wait3A_270 = tpu.memref_slice %arg3[%add3A, %dma_wait3A_265, %dma_wait3A_269] : memref<32x1x160000xf32, #tpu.memory_space<hbm>> -> memref<1x1x16000xf32, #tpu.memory_space<hbm>>
    %dma_wait3A_271 = tpu.memref_squeeze %dma_wait3A_270 : memref<1x1x16000xf32, #tpu.memory_space<hbm>> -> memref<16000xf32, #tpu.memory_space<hbm>>
    tpu.wait_dma2 semaphore(%arg12 : memref<!tpu.dma_semaphore, #tpu.memory_space<semaphore_mem>>) src(%arg4 : memref<16000xf32, #tpu.memory_space<vmem>>) dst(%dma_wait3A_271 : memref<16000xf32, #tpu.memory_space<hbm>>)
    %dma_wait3A_272 = arith.constant 0 : i32
    %dma_wait3A_273 = arith.constant 144000 : i32
    %dma_wait3A_274 = tpu.memref_slice %arg3[%add3A, %dma_wait3A_272, %dma_wait3A_273] : memref<32x1x160000xf32, #tpu.memory_space<hbm>> -> memref<1x1x16000xf32, #tpu.memory_space<hbm>>
    %dma_wait3A_275 = tpu.memref_squeeze %dma_wait3A_274 : memref<1x1x16000xf32, #tpu.memory_space<hbm>> -> memref<16000xf32, #tpu.memory_space<hbm>>
    %dma_wait3A_276 = arith.constant 144000 : i32
    %dma_wait3A_277 = tpu.memref_slice %arg3[%add3A, %dma_wait3A_272, %dma_wait3A_276] : memref<32x1x160000xf32, #tpu.memory_space<hbm>> -> memref<1x1x16000xf32, #tpu.memory_space<hbm>>
    %dma_wait3A_278 = tpu.memref_squeeze %dma_wait3A_277 : memref<1x1x16000xf32, #tpu.memory_space<hbm>> -> memref<16000xf32, #tpu.memory_space<hbm>>
    tpu.wait_dma2 semaphore(%arg13 : memref<!tpu.dma_semaphore, #tpu.memory_space<semaphore_mem>>) src(%arg5 : memref<16000xf32, #tpu.memory_space<vmem>>) dst(%dma_wait3A_278 : memref<16000xf32, #tpu.memory_space<hbm>>)
    return
  }
}

</mosaic_0001>

<sc_bundles>
// kernel: kernel.3.cloned.1.call-start
scs
__scs_entry_jumppad:
0x0: {  	(pc) =	sbr.rel $0x88, $3  }
0x1: {  	(tag) =	ssettag $0x0;
	lr =	simm.s32 $0x1  }
0x2: {  	[smem:$0x3FA0] =	sst lr;
	_ =	strace $0xD0000000  }
0x3: {  	_ = 	snop  }
0x4: {  	_ = 	snop  }
0x5: {  	_ = 	snop  }
0x6: {  	_ = 	snop  }
0x7: {  	_ = 	snop  }
__scs_overlays_trampoline_lowered:
0x8: {  	[smem:$0x3FAF] =	sst s0  }
0x9: {  	[smem:$0x3FB0] =	sst s1  }
0xa: {  	[smem:$0x3FB1] =	sst s2  }
0xb: {  	[smem:$0x3FB2] =	sst s3  }
0xc: {  	[smem:$0x3FB3] =	sst s4  }
0xd: {  	[smem:$0x3FB4] =	sst s5  }
0xe: {  	[smem:$0x3FB5] =	sst s6  }
0xf: {  	[smem:$0x3FB6] =	sst s7  }
0x10: {  	[smem:$0x3FB7] =	sst s8  }
0x11: {  	[smem:$0x3FB8] =	sst s9;
	s0 =	simm.s32 @!p0 $0x0  }
0x12: {  	s1 =	sld [smem:$0x3F9E];
	s0 =	simm.s32 @p0 $0x1  }
0x13: {  	[smem:$0x3FB9] =	sst s0;
	s0 =	simm.s32 @!p1 $0x0  }
0x14: {  	s2 =	sld [smem:$0x3F9D];
	s0 =	simm.s32 @p1 $0x1  }
0x15: {  	[smem:$0x3FBA] =	sst s0;
	s0 =	simm.s32 @!p2 $0x0  }
0x16: {  	s3 =	sld [smem:$0x3FDB];
	s0 =	simm.s32 @p2 $0x1  }
0x17: {  	s4 =	simm.s32 $0x1BF5;
	[smem:$0x3FBC] =	sst s0  }
0x18: {  	s0 =	sld [smem:$0x3F9F];
	_ =	swait.ge [sflag:s4], $0x0  }
0x19: {  	s7 =	sld [smem:$0x3FA0]  }
0x1a: {  	s8 =	sadd.s32 $0xFFFFE003, lr  }
0x1b: {  	s9 =	sadd.s32 $0xFFFFFEF7, lr;
	s5 =	simm.s32 $0xFFFFFFFF;
	p2 =	slt.u32 s8, $0xFFFFF086  }
0x1c: {  	p1 =	slt.u32 s9, $0xF7A;
	s5 =	simm.s32 @!p2 $0x0  }
0x1d: {  	s5 =	simm.s32 @p1 $0x1;
	p0 =	seq.s32 s7, s2  }
0x1e: {  	s7 =	smul.u32 @!p0 $0xF7A, s2;
	p2 =	seq.s32 @!p0 s5, $0x0  }
0x1f: {  	s9 =	smul.u32 $0xF7A, s1;
	s8 =	simm.s32 @!p0 $0x1BF5;
	p2 =	por !p2, p0  }
0x20: {  	[sflag:s8] =	ssyncset.s32 @!p0 $0xFFFFF086;
	s6 =	sadd.s32 @!p0 s3, s7;
	s7 =	simm.s32 @!p0 $0x108  }
0x21: {  	s3 =	sadd.s32 s3, s9;
	s6 =	sadd.s32 @!p0 $0x88, s6;
	s7 =	simm.s32 @p2 $0x1082  }
0x22: {  	[simem:s7], [sflag:s8] =	dma.local @!p0 [hbm:s6], $0xF7A  }
0x23: {  	s9 =	sor.u32 $0xD0000000, s2;
	s6 =	simm.s32 $0x108;
	_ =	swait.ge @!p0 [sflag:s8], $0x0  }
0x24: {  	s3 =	sadd.s32 $0x88, s3;
	s6 =	simm.s32 @!p1 $0x1082;
	[sflag:s4] =	ssyncset.s32 $0xFFFFF086  }
0x25: {  	[simem:s6], [sflag:s4] =	dma.local [hbm:s3], $0xF7A  }
0x26: {  	[smem:$0x3FA0] =	sst s1;
	(tag) =	ssettag s2;
	_ =	strace s9  }
0x27: {  	s1 =	sld [smem:$0x3FB0]  }
0x28: {  	s2 =	sld [smem:$0x3FB1]  }
0x29: {  	s4 =	sld [smem:$0x3FB3]  }
0x2a: {  	p0 =	seq.s32 s5, $0x0;
	s5 =	sld [smem:$0x3FB4]  }
0x2b: {  	s6 =	sld [smem:$0x3FB5]  }
0x2c: {  	s7 =	sld [smem:$0x3FB6]  }
0x2d: {  	s3 =	simm.s32 $0x108;
	s8 =	sld [smem:$0x3FB7]  }
0x2e: {  	s3 =	simm.s32 @!p0 $0x1082;
	s9 =	sld [smem:$0x3FB8]  }
0x2f: {  	lr =	sadd.s32 s0, s3;
	s0 =	sld [smem:$0x3FAF]  }
0x30: {  	s3 =	sld [smem:$0x3FB2]  }
0x31: {  	[smem:$0x3FBB] =	sst s10  }
0x32: {  	s10 =	sld [smem:$0x3FB9];
	_ =	sdelay $0x3  }
0x33: {  	p0 =	seq.s32 s10, $0x1;
	s10 =	sld [smem:$0x3FBB];
	_ =	sdelay $0x3  }
0x34: {  	[smem:$0x3FBB] =	sst s10  }
0x35: {  	s10 =	sld [smem:$0x3FBA];
	_ =	sdelay $0x3  }
0x36: {  	p1 =	seq.s32 s10, $0x1;
	s10 =	sld [smem:$0x3FBB];
	_ =	sdelay $0x3  }
0x37: {  	[smem:$0x3FBB] =	sst s10  }
0x38: {  	s10 =	sld [smem:$0x3FBC]  }
0x39: {  	_ = 	snop;
	(pc) =	sbr.ind lr, $3  }
0x3a: {  	_ = 	snop  }
0x3b: {  	_ = 	snop  }
0x3c: {  	p2 =	seq.s32 s10, $0x1;
	s10 =	sld [smem:$0x3FBB]  }
0x3d: {  	_ =	shalt  }
0x3e: {  	_ =	shalt  }
0x3f: {  	_ =	shalt  }
0x40: {  	_ =	shalt  }
0x41: {  	_ =	shalt  }
0x42: {  	_ =	shalt  }
0x43: {  	_ =	shalt  }
0x44: {  	_ =	shalt  }
0x45: {  	_ =	shalt  }
0x46: {  	_ =	shalt  }
0x47: {  	_ =	shalt  }
0x48: {  	_ =	shalt  }
0x49: {  	_ =	shalt  }
0x4a: {  	_ =	shalt  }
0x4b: {  	_ =	shalt  }
0x4c: {  	_ =	shalt  }
0x4d: {  	_ =	shalt  }
0x4e: {  	_ =	shalt  }
0x4f: {  	_ =	shalt  }
0x50: {  	_ =	shalt  }
0x51: {  	_ =	shalt  }
0x52: {  	_ =	shalt  }
0x53: {  	_ =	shalt  }
0x54: {  	_ =	shalt  }
0x55: {  	_ =	shalt  }
0x56: {  	_ =	shalt  }
0x57: {  	_ =	shalt  }
0x58: {  	_ =	shalt  }
0x59: {  	_ =	shalt  }
0x5a: {  	_ =	shalt  }
0x5b: {  	_ =	shalt  }
0x5c: {  	_ =	shalt  }
0x5d: {  	_ =	shalt  }
0x5e: {  	_ =	shalt  }
0x5f: {  	_ =	shalt  }
0x60: {  	_ =	shalt  }
0x61: {  	_ =	shalt  }
0x62: {  	_ =	shalt  }
0x63: {  	_ =	shalt  }
0x64: {  	_ =	shalt  }
0x65: {  	_ =	shalt  }
0x66: {  	_ =	shalt  }
0x67: {  	_ =	shalt  }
0x68: {  	_ =	shalt  }
0x69: {  	_ =	shalt  }
0x6a: {  	_ =	shalt  }
0x6b: {  	_ =	shalt  }
0x6c: {  	_ =	shalt  }
0x6d: {  	_ =	shalt  }
0x6e: {  	_ =	shalt  }
0x6f: {  	_ =	shalt  }
0x70: {  	_ =	shalt  }
0x71: {  	_ =	shalt  }
0x72: {  	_ =	shalt  }
0x73: {  	_ =	shalt  }
0x74: {  	_ =	shalt  }
0x75: {  	_ =	shalt  }
0x76: {  	_ =	shalt  }
0x77: {  	_ =	shalt  }
0x78: {  	_ =	shalt  }
0x79: {  	_ =	shalt  }
0x7a: {  	_ =	shalt  }
0x7b: {  	_ =	shalt  }
0x7c: {  	_ =	shalt  }
0x7d: {  	_ =	shalt  }
0x7e: {  	_ =	shalt  }
0x7f: {  	_ =	shalt  }
0x80: {  	_ =	shalt  }
0x81: {  	_ =	shalt  }
0x82: {  	_ =	shalt  }
0x83: {  	_ =	shalt  }
0x84: {  	_ =	shalt  }
0x85: {  	_ =	shalt  }
0x86: {  	_ =	shalt  }
0x87: {  	_ =	shalt  }
.Lfunc_end0:
.L_simem_size_0:
called_computation_lowered:
.L_overlay_start_0:
0x88: {  	s2 =	sld [smem:$0x3FD9]  }
0x89: {  	s3 =	sld [smem:$0x3FFE];
	_ =	sdelay $0x1  }
0x8a: {  	s1 =	srdreg.scid  }
0x8b: {  	s0 =	sand.u32 $0x1, s1  }
0x8c: {  	s18 =	sshll.u32 s0, $0xA;
	s2 =	sadd.s32 s3, s2  }
0x8d: {  	s2 =	sadd.s32 s2, s18  }
0x8e: {  	[smem:$0x3FC7] =	sst s2  }
0x8f: {  	_ = 	snop  }
0x90: {  	s2 =	sld [smem:$0x3FC9]  }
0x91: {  	s19 =	sld [smem:$0x3FD0];
	(tm) =	ssettm $0x1  }
0x92: {  	s4 =	sld [smem:$0x3FFB];
	_ =	sdelay $0x3  }
0x93: {  	_ =	strace s4  }
0x94: {  	s4 =	sld [smem:$0x3FFC];
	_ =	sdelay $0x3  }
0x95: {  	_ =	strace s4  }
0x96: {  	s4 =	sld [smem:$0x3FFD];
	_ =	sdelay $0x3  }
0x97: {  	_ =	strace s4  }
0x98: {  	_ =	strace $0x8FFFFFFF  }
0x99: {  	s20 =	sld [smem:$0x3FDB];
	_ =	sdelay $0x1  }
0x9a: {  	s5 =	simm.s32 $_scs_section_size  }
0x9b: {  	s6 =	simm.s32 $_size__tile_overlayer_lowered;
	s7 =	simm.s32 $_tile_overlayer_lowered  }
0x9c: {  	s23 =	simm.s32 $0x1BFF;
	s22 =	sshll.u32 s7, $0x1;
	s4 =	sadd.s32 s5, s20  }
0x9d: {  	s8 =	simm.s32 $0x0;
	s21 =	sshll.u32 s6, $0x1;
	s6 =	sadd.s32 s22, s4  }
0x9e: {  	[timem:s8], [sflag:s23] =	dma.local [hbm:s6], s21  }
0x9f: {  	_ =	swait.ge [sflag:s23], s21  }
0xa0: {  	s5 =	ssub.s32 $0x0, s21;
	[sflag:s23] =	ssyncset.done $0x0  }
0xa1: {  	[sflag:s23] =	ssyncadd.s32 s5;
	_ =	sdelay $0x1  }
0xa2: {  	s24 =	simm.s32 $0x1B8B  }
0xa3: {  	_ =	swait.ge [sflag:s24], $0x1  }
0xa4: {  	[sflag:s24] =	ssyncset.done $0x0  }
0xa5: {  	s25 =	simm.s32 $0x1B8E;
	[sflag:s24] =	ssyncadd.s32 $0xFFFFFFFF  }
0xa6: {  	s26 =	simm.s32 $execute0_lowered;
	[smem:$0x3FD2] =	sst s25  }
0xa7: {  	s5 =	sshll.u32 s26, $0x1;
	_ =	strace $0x80000046;
	[dreg:$0x1] =	wrdreg $0xFFFFFFFF  }
0xa8: {  	s28 =	simm.s32 $_size_execute0_lowered;
	s4 =	sadd.s32 s4, s5;
	[dreg:$0x0] =	wrdreg $0x0  }
0xa9: {  	s5 =	sshll.u32 s28, $0x1;
	[dreg:$0x2] =	wrdreg s4  }
0xaa: {  	[dreg:$0x3] =	wrdreg s5  }
0xab: {  	[dreg:$0x4] =	wrdreg $0xC0  }
0xac: {  	_ =	task [dreg:s8], $0x5FFFF  }
0xad: {  	[dreg:$0x1] =	wrdreg $0xFFFFFFFF  }
0xae: {  	[dreg:$0x0] =	wrdreg $0x60  }
0xaf: {  	[dreg:$0x2] =	wrdreg s2  }
0xb0: {  	[dreg:$0x3] =	wrdreg s19  }
0xb1: {  	[dreg:$0x4] =	wrdreg $0x9  }
0xb2: {  	_ =	task.clear_ibuf [dreg:s8], $0x5FFFF;
	_ =	strace $0x90000046  }
0xb3: {  	s29 =	simm.s32 $0x9;
	_ =	strace $0x80000048  }
0xb4: {  	_ =	swait.ge [sflag:s29], $0x1  }
0xb5: {  	[sflag:s29] =	ssyncadd.s32 $0xFFFFFFFF  }
0xb6: {  	_ =	strace $0x90000048  }
0xb7: {  	_ =	sfence  }
0xb8: {  	s30 =	sld [smem:$0x0];
	_ =	sdelay $0x2  }
0xb9: {  	s31 =	sshll.u32 s1, $0xD;
	s1 =	sshrl.u32 s1, $0x2  }
0xba: {  	s3 =	sand.u32 $0x4000, s31;
	s1 =	sadd.s32 s1, s30  }
0xbb: {  	s0 =	sor.u32 s3, s0;
	s1 =	sshll.u32 s1, $0x11  }
0xbc: {  	s0 =	sor.u32 s1, s0  }
0xbd: {  	s0 =	sadd.s32 $0x8F2B, s0  }
0xbe: {  	[sflag:s0] =	ssyncadd.remote.s32 $0x1  }
0xbf: {  	_ =	sfence.sel $0xFFFF  }
0xc0: {  	[dreg:$0x0] =	wrdreg $0xFFFFFFFF;
	(pc) =	sbr.abs _section_cstart, $3  }
0xc1: {  	[dreg:$0x1] =	wrdreg $0xFFFFFFFF  }
0xc2: {  	_ =	task.clear_ibuf [dreg:s8], $0x2FFFF;
	_ =	strace $0x9FFFFFFF  }
0xc3: {  	(tm) =	ssettm $0x7FFFFFFF  }
tec
execute0_lowered:
.L_overlay_start_1:
0x0: {  	(tag) =	ssettag $0x1  }
0x1: {  	s1 =	srdreg.scid;
	s0 =	stileid.u32  }
0x2: {  	s1 =	sand.u32 $0x1, s1;
	s2 =	sshll.u32 s0, $0x1  }
0x3: {  	s2 =	sor.u32 s1, s2  }
0x4: {  	s28 =	rddreg [dreg:$0x0];
	s3 =	smul.u32 $0x27100, s2  }
0x5: {  	s31 =	rddreg [dreg:$0x1]  }
0x6: {  	[dreg:$0x7] =	wrdreg s1;
	s2 =	simm.s32 $0x0;
	s29 =	sshrl.u32 s3, $0x3  }
0x7: {  	[smem:$0x7FF] =	sst s2;
	s3 =	sadd.s32 s28, s29;
	s10 =	sadd.s32 $0x7D0, s29  }
0x8: {  	_ =	strace $0x80000047;
	[dreg:$0x3] =	wrdreg s3;
	s23 =	sadd.s32 s28, s10  }
0x9: {  	s14 =	sadd.s32 $0xFA0, s29;
	[dreg:$0x4] =	wrdreg s23  }
0xa: {  	s24 =	sadd.s32 s28, s14;
	s4 =	rddreg [dreg:$0x3]  }
0xb: {  	[dreg:$0x5] =	wrdreg s24  }
0xc: {  	[tilespmem:s2], [sflag:$0x1] =	stream.linear.gather [hbm4b:s4+s2], $0x3E80, $0x38;
	[tilespmem:$0xFA00] =	vst v63  }
0xd: {  	s3 =	simm.s32 $0x3E80;
	s5 =	rddreg [dreg:$0x4]  }
0xe: {  	[tilespmem:s3], [sflag:$0x2] =	stream.linear.gather [hbm4b:s5+s2], $0x3E80, $0x38;
	[tilespmem:$0xFA00] =	vst v63  }
0xf: {  	s6 =	rddreg [dreg:$0x5];
	s4 =	simm.s32 $0x7D00;
	s5 =	simm.s32 $0x1  }
0x10: {  	[tilespmem:s4], [sflag:$0x3] =	stream.linear.gather [hbm4b:s6+s2], $0x3E80, $0x38;
	[tilespmem:$0xFA00] =	vst v63  }
0x11: {  	_ =	swait.ge [sflag:s5], $0x3E80  }
0x12: {  	s8 =	simm.s32 $0xBB80;
	[sflag:s5] =	ssyncset.done $0x0  }
0x13: {  	s25 =	sadd.s32 s31, s29;
	s18 =	sadd.s32 $0x1770, s29;
	[sflag:s5] =	ssyncadd.s32 $0xFFFFC180  }
0x14: {  	[hbm4b:s25+s2] =	stream.linear.scatter [tilespmem:s2], [sflag:$0x5], $0x3E80, $0x38;
	[tilespmem:$0xFA00] =	vst v63  }
0x15: {  	s9 =	simm.s32 $0x2;
	s26 =	sadd.s32 s28, s18;
	[dreg:$0x6] =	wrdreg s25  }
0x16: {  	[tilespmem:s8], [sflag:$0x4] =	stream.linear.gather [hbm4b:s26+s2], $0x3E80, $0x38;
	[tilespmem:$0xFA00] =	vst v63  }
0x17: {  	_ =	swait.ge [sflag:s9], $0x3E80  }
0x18: {  	[sflag:s9] =	ssyncset.done $0x0  }
0x19: {  	s11 =	simm.s32 $0x5;
	s10 =	sadd.s32 s31, s10;
	[sflag:s9] =	ssyncadd.s32 $0xFFFFC180  }
0x1a: {  	[hbm4b:s10+s2] =	stream.linear.scatter [tilespmem:s3], [sflag:$0x6], $0x3E80, $0x38;
	[tilespmem:$0xFA00] =	vst v63  }
0x1b: {  	_ =	swait.ge [sflag:s11], $0x3E80  }
0x1c: {  	s21 =	sadd.s32 $0x1F40, s29;
	[sflag:s11] =	ssyncset.done $0x0  }
0x1d: {  	s13 =	simm.s32 $0x3;
	s12 =	sadd.s32 s28, s21;
	[sflag:s11] =	ssyncadd.s32 $0xFFFFC180  }
0x1e: {  	[tilespmem:s2], [sflag:$0x1] =	stream.linear.gather [hbm4b:s12+s2], $0x3E80, $0x38;
	[tilespmem:$0xFA00] =	vst v63  }
0x1f: {  	_ =	swait.ge [sflag:s13], $0x3E80  }
0x20: {  	[sflag:s13] =	ssyncset.done $0x0  }
0x21: {  	s15 =	sadd.s32 s31, s14;
	s14 =	simm.s32 $0x6;
	[sflag:s13] =	ssyncadd.s32 $0xFFFFC180  }
0x22: {  	[hbm4b:s15+s2] =	stream.linear.scatter [tilespmem:s4], [sflag:$0x7], $0x3E80, $0x38;
	[tilespmem:$0xFA00] =	vst v63  }
0x23: {  	_ =	swait.ge [sflag:s14], $0x3E80  }
0x24: {  	s24 =	sadd.s32 $0x2710, s29;
	[sflag:s14] =	ssyncset.done $0x0  }
0x25: {  	s17 =	simm.s32 $0x4;
	s16 =	sadd.s32 s28, s24;
	[sflag:s14] =	ssyncadd.s32 $0xFFFFC180  }
0x26: {  	[tilespmem:s3], [sflag:$0x2] =	stream.linear.gather [hbm4b:s16+s2], $0x3E80, $0x38;
	[tilespmem:$0xFA00] =	vst v63  }
0x27: {  	_ =	swait.ge [sflag:s17], $0x3E80  }
0x28: {  	[sflag:s17] =	ssyncset.done $0x0  }
0x29: {  	s19 =	simm.s32 $0x7;
	s18 =	sadd.s32 s31, s18;
	[sflag:s17] =	ssyncadd.s32 $0xFFFFC180  }
0x2a: {  	[hbm4b:s18+s2] =	stream.linear.scatter [tilespmem:s8], [sflag:$0x8], $0x3E80, $0x38;
	[tilespmem:$0xFA00] =	vst v63  }
0x2b: {  	_ =	swait.ge [sflag:s19], $0x3E80  }
0x2c: {  	s7 =	smov.u32 s26;
	s26 =	sadd.s32 $0x2EE0, s29;
	[sflag:s19] =	ssyncset.done $0x0  }
0x2d: {  	s20 =	sadd.s32 s28, s26;
	[sflag:s19] =	ssyncadd.s32 $0xFFFFC180  }
0x2e: {  	[tilespmem:s4], [sflag:$0x3] =	stream.linear.gather [hbm4b:s20+s2], $0x3E80, $0x38;
	[tilespmem:$0xFA00] =	vst v63  }
0x2f: {  	_ =	swait.ge [sflag:s5], $0x3E80  }
0x30: {  	[sflag:s5] =	ssyncset.done $0x0  }
0x31: {  	s22 =	simm.s32 $0x8;
	s21 =	sadd.s32 s31, s21;
	[sflag:s5] =	ssyncadd.s32 $0xFFFFC180  }
0x32: {  	[hbm4b:s21+s2] =	stream.linear.scatter [tilespmem:s2], [sflag:$0x5], $0x3E80, $0x38;
	[tilespmem:$0xFA00] =	vst v63  }
0x33: {  	_ =	swait.ge [sflag:s22], $0x3E80  }
0x34: {  	s30 =	sadd.s32 $0x36B0, s29;
	[sflag:s22] =	ssyncset.done $0x0  }
0x35: {  	s23 =	sadd.s32 s28, s30;
	[sflag:s22] =	ssyncadd.s32 $0xFFFFC180  }
0x36: {  	[tilespmem:s8], [sflag:$0x4] =	stream.linear.gather [hbm4b:s23+s2], $0x3E80, $0x38;
	[tilespmem:$0xFA00] =	vst v63  }
0x37: {  	_ =	swait.ge [sflag:s9], $0x3E80  }
0x38: {  	[sflag:s9] =	ssyncset.done $0x0  }
0x39: {  	s24 =	sadd.s32 s31, s24;
	[sflag:s9] =	ssyncadd.s32 $0xFFFFC180  }
0x3a: {  	[hbm4b:s24+s2] =	stream.linear.scatter [tilespmem:s3], [sflag:$0x6], $0x3E80, $0x38;
	[tilespmem:$0xFA00] =	vst v63  }
0x3b: {  	_ =	swait.ge [sflag:s11], $0x3E80  }
0x3c: {  	s0 =	sadd.s32 $0x3E80, s29;
	[sflag:s11] =	ssyncset.done $0x0  }
0x3d: {  	s25 =	sadd.s32 s28, s0;
	[sflag:s11] =	ssyncadd.s32 $0xFFFFC180  }
0x3e: {  	[tilespmem:s2], [sflag:$0x1] =	stream.linear.gather [hbm4b:s25+s2], $0x3E80, $0x38;
	[tilespmem:$0xFA00] =	vst v63  }
0x3f: {  	_ =	swait.ge [sflag:s13], $0x3E80  }
0x40: {  	[sflag:s13] =	ssyncset.done $0x0  }
0x41: {  	s26 =	sadd.s32 s31, s26;
	[sflag:s13] =	ssyncadd.s32 $0xFFFFC180  }
0x42: {  	[hbm4b:s26+s2] =	stream.linear.scatter [tilespmem:s4], [sflag:$0x7], $0x3E80, $0x38;
	[tilespmem:$0xFA00] =	vst v63  }
0x43: {  	_ =	swait.ge [sflag:s14], $0x3E80  }
0x44: {  	s6 =	sadd.s32 $0x4650, s29;
	[sflag:s14] =	ssyncset.done $0x0  }
0x45: {  	s28 =	sadd.s32 s28, s6;
	[sflag:s14] =	ssyncadd.s32 $0xFFFFC180  }
0x46: {  	[tilespmem:s3], [sflag:$0x2] =	stream.linear.gather [hbm4b:s28+s2], $0x3E80, $0x38;
	[tilespmem:$0xFA00] =	vst v63  }
0x47: {  	_ =	swait.ge [sflag:s17], $0x3E80  }
0x48: {  	[sflag:s17] =	ssyncset.done $0x0  }
0x49: {  	s29 =	sadd.s32 s31, s30;
	[sflag:s17] =	ssyncadd.s32 $0xFFFFC180  }
0x4a: {  	[hbm4b:s29+s2] =	stream.linear.scatter [tilespmem:s8], [sflag:$0x8], $0x3E80, $0x38;
	[tilespmem:$0xFA00] =	vst v63  }
0x4b: {  	_ =	swait.ge [sflag:s5], $0x3E80  }
0x4c: {  	[sflag:s5] =	ssyncset.done $0x0  }
0x4d: {  	s30 =	sadd.s32 s31, s0;
	[sflag:s5] =	ssyncadd.s32 $0xFFFFC180  }
0x4e: {  	[hbm4b:s30+s2] =	stream.linear.scatter [tilespmem:s2], [sflag:$0x5], $0x3E80, $0x38;
	[tilespmem:$0xFA00] =	vst v63  }
0x4f: {  	_ =	swait.ge [sflag:s9], $0x3E80  }
0x50: {  	[sflag:s9] =	ssyncset.done $0x0  }
0x51: {  	s31 =	sadd.s32 s31, s6;
	[sflag:s9] =	ssyncadd.s32 $0xFFFFC180  }
0x52: {  	[hbm4b:s31+s2] =	stream.linear.scatter [tilespmem:s3], [sflag:$0x6], $0x3E80, $0x38;
	[tilespmem:$0xFA00] =	vst v63  }
0x53: {  	_ =	swait.ge [sflag:s19], $0x3E80  }
0x54: {  	[sflag:s19] =	ssyncset.done $0x0  }
0x55: {  	[sflag:s19] =	ssyncadd.s32 $0xFFFFC180  }
0x56: {  	_ =	swait.ge [sflag:s22], $0x3E80  }
0x57: {  	s1 =	rddreg [dreg:$0x7]  }
0x58: {  	s0 =	ssub.s32 $0x2, s1  }
0x59: {  	s6 =	sshrl.u32 s0, $0x1  }
0x5a: {  	s0 =	ssub.s32 s0, s6  }
0x5b: {  	s0 =	smax.u32 s0, $0x1  }
0x5c: {  	[sflag:s22] =	ssyncset.done $0x0;
	p0 =	sne.s32 s0, $0x1  }
.Ltmp0:
0x5d: {  	[sflag:s22] =	ssyncadd.s32 $0xFFFFC180;
	(pc) =	sbr.rel @!p0 .LBB2_2-.Ltmp0, $4  }
0x5e: {  	_ =	swait.ge [sflag:s11], $0x3E80  }
0x5f: {  	[sflag:s11] =	ssyncset.done $0x0  }
0x60: {  	[sflag:s11] =	ssyncadd.s32 $0xFFFFC180  }
0x61: {  	s1 =	sadd.s32 $0xFFFFFFFF, s0;
	_ =	swait.ge [sflag:s14], $0x3E80  }
.LBB2_1:
0x62: {  	[sflag:s14] =	ssyncset.done $0x0  }
0x63: {  	s0 =	rddreg [dreg:$0x3];
	[sflag:s14] =	ssyncadd.s32 $0xFFFFC180  }
0x64: {  	[tilespmem:s2], [sflag:$0x1] =	stream.linear.gather [hbm4b:s0+s2], $0x3E80, $0x38;
	[tilespmem:$0xFA00] =	vst v63  }
0x65: {  	s6 =	rddreg [dreg:$0x4]  }
0x66: {  	[tilespmem:s3], [sflag:$0x2] =	stream.linear.gather [hbm4b:s6+s2], $0x3E80, $0x38;
	[tilespmem:$0xFA00] =	vst v63  }
0x67: {  	s0 =	rddreg [dreg:$0x5]  }
0x68: {  	[tilespmem:s4], [sflag:$0x3] =	stream.linear.gather [hbm4b:s0+s2], $0x3E80, $0x38;
	[tilespmem:$0xFA00] =	vst v63  }
0x69: {  	_ =	swait.ge [sflag:s5], $0x3E80  }
0x6a: {  	[sflag:s5] =	ssyncset.done $0x0  }
0x6b: {  	s6 =	rddreg [dreg:$0x6];
	[sflag:s5] =	ssyncadd.s32 $0xFFFFC180  }
0x6c: {  	[hbm4b:s6+s2] =	stream.linear.scatter [tilespmem:s2], [sflag:$0x5], $0x3E80, $0x38;
	[tilespmem:$0xFA00] =	vst v63  }
0x6d: {  	_ = 	snop  }
0x6e: {  	[tilespmem:s8], [sflag:$0x4] =	stream.linear.gather [hbm4b:s7+s2], $0x3E80, $0x38;
	[tilespmem:$0xFA00] =	vst v63  }
0x6f: {  	_ =	swait.ge [sflag:s9], $0x3E80  }
0x70: {  	[sflag:s9] =	ssyncset.done $0x0  }
0x71: {  	[sflag:s9] =	ssyncadd.s32 $0xFFFFC180  }
0x72: {  	[hbm4b:s10+s2] =	stream.linear.scatter [tilespmem:s3], [sflag:$0x6], $0x3E80, $0x38;
	[tilespmem:$0xFA00] =	vst v63  }
0x73: {  	_ =	swait.ge [sflag:s11], $0x3E80  }
0x74: {  	[sflag:s11] =	ssyncset.done $0x0  }
0x75: {  	[sflag:s11] =	ssyncadd.s32 $0xFFFFC180  }
0x76: {  	[tilespmem:s2], [sflag:$0x1] =	stream.linear.gather [hbm4b:s12+s2], $0x3E80, $0x38;
	[tilespmem:$0xFA00] =	vst v63  }
0x77: {  	_ =	swait.ge [sflag:s13], $0x3E80  }
0x78: {  	[sflag:s13] =	ssyncset.done $0x0  }
0x79: {  	[sflag:s13] =	ssyncadd.s32 $0xFFFFC180  }
0x7a: {  	[hbm4b:s15+s2] =	stream.linear.scatter [tilespmem:s4], [sflag:$0x7], $0x3E80, $0x38;
	[tilespmem:$0xFA00] =	vst v63  }
0x7b: {  	_ =	swait.ge [sflag:s14], $0x3E80  }
0x7c: {  	[sflag:s14] =	ssyncset.done $0x0  }
0x7d: {  	[sflag:s14] =	ssyncadd.s32 $0xFFFFC180  }
0x7e: {  	[tilespmem:s3], [sflag:$0x2] =	stream.linear.gather [hbm4b:s16+s2], $0x3E80, $0x38;
	[tilespmem:$0xFA00] =	vst v63  }
0x7f: {  	_ =	swait.ge [sflag:s17], $0x3E80  }
0x80: {  	[sflag:s17] =	ssyncset.done $0x0  }
0x81: {  	[sflag:s17] =	ssyncadd.s32 $0xFFFFC180  }
0x82: {  	[hbm4b:s18+s2] =	stream.linear.scatter [tilespmem:s8], [sflag:$0x8], $0x3E80, $0x38;
	[tilespmem:$0xFA00] =	vst v63  }
0x83: {  	_ =	swait.ge [sflag:s19], $0x3E80  }
0x84: {  	[sflag:s19] =	ssyncset.done $0x0  }
0x85: {  	[sflag:s19] =	ssyncadd.s32 $0xFFFFC180  }
0x86: {  	[tilespmem:s4], [sflag:$0x3] =	stream.linear.gather [hbm4b:s20+s2], $0x3E80, $0x38;
	[tilespmem:$0xFA00] =	vst v63  }
0x87: {  	_ =	swait.ge [sflag:s5], $0x3E80  }
0x88: {  	[sflag:s5] =	ssyncset.done $0x0  }
0x89: {  	[sflag:s5] =	ssyncadd.s32 $0xFFFFC180  }
0x8a: {  	[hbm4b:s21+s2] =	stream.linear.scatter [tilespmem:s2], [sflag:$0x5], $0x3E80, $0x38;
	[tilespmem:$0xFA00] =	vst v63  }
0x8b: {  	_ =	swait.ge [sflag:s22], $0x3E80  }
0x8c: {  	[sflag:s22] =	ssyncset.done $0x0  }
0x8d: {  	[sflag:s22] =	ssyncadd.s32 $0xFFFFC180  }
0x8e: {  	[tilespmem:s8], [sflag:$0x4] =	stream.linear.gather [hbm4b:s23+s2], $0x3E80, $0x38;
	[tilespmem:$0xFA00] =	vst v63  }
0x8f: {  	_ =	swait.ge [sflag:s9], $0x3E80  }
0x90: {  	[sflag:s9] =	ssyncset.done $0x0  }
0x91: {  	[sflag:s9] =	ssyncadd.s32 $0xFFFFC180  }
0x92: {  	[hbm4b:s24+s2] =	stream.linear.scatter [tilespmem:s3], [sflag:$0x6], $0x3E80, $0x38;
	[tilespmem:$0xFA00] =	vst v63  }
0x93: {  	_ =	swait.ge [sflag:s11], $0x3E80  }
0x94: {  	[sflag:s11] =	ssyncset.done $0x0  }
0x95: {  	[sflag:s11] =	ssyncadd.s32 $0xFFFFC180  }
0x96: {  	[tilespmem:s2], [sflag:$0x1] =	stream.linear.gather [hbm4b:s25+s2], $0x3E80, $0x38;
	[tilespmem:$0xFA00] =	vst v63  }
0x97: {  	_ =	swait.ge [sflag:s13], $0x3E80  }
0x98: {  	[sflag:s13] =	ssyncset.done $0x0  }
0x99: {  	[sflag:s13] =	ssyncadd.s32 $0xFFFFC180  }
0x9a: {  	[hbm4b:s26+s2] =	stream.linear.scatter [tilespmem:s4], [sflag:$0x7], $0x3E80, $0x38;
	[tilespmem:$0xFA00] =	vst v63  }
0x9b: {  	_ =	swait.ge [sflag:s14], $0x3E80  }
0x9c: {  	[sflag:s14] =	ssyncset.done $0x0  }
0x9d: {  	[sflag:s14] =	ssyncadd.s32 $0xFFFFC180  }
0x9e: {  	[tilespmem:s3], [sflag:$0x2] =	stream.linear.gather [hbm4b:s28+s2], $0x3E80, $0x38;
	[tilespmem:$0xFA00] =	vst v63  }
0x9f: {  	_ =	swait.ge [sflag:s17], $0x3E80  }
0xa0: {  	[sflag:s17] =	ssyncset.done $0x0  }
0xa1: {  	[sflag:s17] =	ssyncadd.s32 $0xFFFFC180  }
0xa2: {  	[hbm4b:s29+s2] =	stream.linear.scatter [tilespmem:s8], [sflag:$0x8], $0x3E80, $0x38;
	[tilespmem:$0xFA00] =	vst v63  }
0xa3: {  	_ =	swait.ge [sflag:s5], $0x3E80  }
0xa4: {  	[sflag:s5] =	ssyncset.done $0x0  }
0xa5: {  	[sflag:s5] =	ssyncadd.s32 $0xFFFFC180  }
0xa6: {  	[hbm4b:s30+s2] =	stream.linear.scatter [tilespmem:s2], [sflag:$0x5], $0x3E80, $0x38;
	[tilespmem:$0xFA00] =	vst v63  }
0xa7: {  	_ =	swait.ge [sflag:s9], $0x3E80  }
0xa8: {  	[sflag:s9] =	ssyncset.done $0x0  }
0xa9: {  	[sflag:s9] =	ssyncadd.s32 $0xFFFFC180  }
0xaa: {  	[hbm4b:s31+s2] =	stream.linear.scatter [tilespmem:s3], [sflag:$0x6], $0x3E80, $0x38;
	[tilespmem:$0xFA00] =	vst v63  }
0xab: {  	_ =	swait.ge [sflag:s19], $0x3E80  }
0xac: {  	[sflag:s19] =	ssyncset.done $0x0  }
0xad: {  	[sflag:s19] =	ssyncadd.s32 $0xFFFFC180  }
0xae: {  	_ =	swait.ge [sflag:s22], $0x3E80  }
0xaf: {  	p0 =	sne.s32 s1, $0x1;
	[sflag:s22] =	ssyncset.done $0x0  }
.Ltmp1:
0xb0: {  	[sflag:s22] =	ssyncadd.s32 $0xFFFFC180;
	(pc) =	sbr.rel @p0 .LBB2_1-.Ltmp1, $4  }
0xb1: {  	_ =	swait.ge [sflag:s11], $0x3E80  }
0xb2: {  	[sflag:s11] =	ssyncset.done $0x0  }
0xb3: {  	[sflag:s11] =	ssyncadd.s32 $0xFFFFC180  }
0xb4: {  	s1 =	sadd.s32 $0xFFFFFFFF, s1;
	_ =	swait.ge [sflag:s14], $0x3E80  }
.LBB2_2:
0xb5: {  	[sflag:s14] =	ssyncset.done $0x0  }
0xb6: {  	[sflag:s14] =	ssyncadd.s32 $0xFFFFC180  }
0xb7: {  	_ =	sfence.sel $0x180000  }
0xb8: {  	[bflag:$0x0] =	sbarrier.arrive $0xFFFF  }
0xb9: {  	_ =	strace $0x90000047  }
0xba: {  	s0 =	stileid.u32;
	[bflag:$0x2] =	sbarrier.arrive $0xFFFF  }
0xbb: {  	p0 =	sne.s32 s0, $0x0;
	s0 =	rddreg [dreg:$0x2]  }
0xbc: {  	s0 =	sadd.s32 @!p0 $0x100000, s0  }
0xbd: {  	[sflag:s0] =	ssyncadd.tile.s32 @!p0 $0x1;
	_ =	shalt  }
.Lfunc_end2:
_tile_overlayer_lowered:
.L_overlay_start_2:
0xbe: {  	(tag) =	ssettag $0x2  }
0xbf: {  	s0 =	rddreg [dreg:$0x0];
	s2 =	stileid.u32  }
0xc0: {  	s1 =	rddreg [dreg:$0x1];
	p0 =	sne.s32 s2, $0x0  }
0xc1: {  	s3 =	rddreg [dreg:$0x2];
	[bflag:$0x3] =	sbarrier.arrive $0xFFFF;
	s2 =	simm.s32 @!p0 $0x1C09  }
0xc2: {  	[timem:s3], [sflag:s2] =	dma.local @!p0 [hbm:s0], s1  }
0xc3: {  	s0 =	simm.s32 @!p0 $0x9  }
0xc4: {  	_ =	swait.ge @!p0 [sflag:s0], s1  }
0xc5: {  	s1 =	ssub.s32 @!p0 $0x0, s1;
	[sflag:s0] =	ssyncset.done @!p0 $0x0  }
0xc6: {  	[sflag:s0] =	ssyncadd.s32 @!p0 s1  }
0xc7: {  	[bflag:$0x3] =	sbarrier.arrive $0xFFFF  }
0xc8: {  	_ =	shalt  }

</sc_bundles>
